<compile_context>
chip_gen: v7x
topology: tpu7x:2x2x1
jax: 0.10.2.dev20260603
libtpu: 0.0.44.dev20260713+nightly
codegen_flags: <defaults>
</compile_context>

<pallas_src>
import functools

import jax
import jax.numpy as jnp
from jax import lax
from jax.experimental import pallas as pl
from jax.experimental.pallas import tpu as pltpu
from jax.experimental.pallas import tpu_sc as plsc

B = 1
T = 2048
D = 768
E = 8
TOPK = 2
H = 1536

TM = 512
NTILES = 15
NPAD = TM * NTILES
NA = T * TOPK

_NC = 2
_NS = 16
_NW = _NC * _NS



def _routing_body(x_ref, rw_ref, rb_ref,
                  wn_ref, fe_ref, pe_ref, lb_ref, zl_ref, ent_ref,
                  dests_ref, pf_ref):
    h = x_ref[...]
    logits = jnp.dot(h, rw_ref[...], preferred_element_type=jnp.float32)
    logits = logits + rb_ref[...]
    m = jnp.max(logits, axis=-1, keepdims=True)
    ex = jnp.exp(logits - m)
    s = jnp.sum(ex, axis=-1, keepdims=True)
    probs = ex / s
    z = m[:, 0] + jnp.log(s[:, 0])

    iota = jax.lax.broadcasted_iota(jnp.int32, (T, E), 1)
    m1 = jnp.max(probs, axis=-1, keepdims=True)
    idx1 = jnp.min(jnp.where(probs == m1, iota, E), axis=-1, keepdims=True)
    p2 = jnp.where(iota == idx1, -jnp.inf, probs)
    m2 = jnp.max(p2, axis=-1, keepdims=True)
    idx2 = jnp.min(jnp.where(p2 == m2, iota, E), axis=-1, keepdims=True)

    wsum = m1 + m2 + 1e-9
    wn_ref[...] = jnp.concatenate([m1 / wsum, m2 / wsum], axis=1)

    pe = jnp.mean(probs, axis=0)[None, :]
    pe_ref[...] = pe
    zl_ref[...] = jnp.reshape(jnp.mean(z * z), (1, 1))
    ent_ref[...] = jnp.reshape(
        jnp.mean(-jnp.sum(probs * jnp.log(probs + 1e-10), axis=-1)), (1, 1))

    i1r = idx1.reshape(1, T)
    i2r = idx2.reshape(1, T)
    eiota = jax.lax.broadcasted_iota(jnp.int32, (E, T), 0)
    a0t = eiota == i1r
    a1t = eiota == i2r
    st = a0t.astype(jnp.float32) + a1t.astype(jnp.float32)
    c = st
    sh = 1
    while sh < T:
        c = c + jnp.concatenate(
            [jnp.zeros((E, sh), jnp.float32), c[:, :-sh]], axis=1)
        sh *= 2
    cnt = c[:, T - 1:T]
    tiles_pe = jnp.ceil(cnt * (1.0 / TM))
    tl = tiles_pe
    for sh2 in (1, 2, 4):
        tl = tl + jnp.concatenate(
            [jnp.zeros((sh2, 1), jnp.float32), tl[:-sh2]], axis=0)
    tile_lo = tl - tiles_pe
    baset = tile_lo * TM + (c - st)
    d0 = jnp.sum(jnp.where(a0t, baset, 0.0), axis=0, keepdims=True)
    d1 = jnp.sum(jnp.where(a1t, baset, 0.0), axis=0, keepdims=True)
    dests_ref[...] = jnp.concatenate([d0, d1], axis=0).astype(jnp.int32)

    fe = cnt.reshape(1, E) * (1.0 / T)
    fe_ref[...] = fe
    lb_ref[...] = jnp.reshape(-E * jnp.sum(fe * pe), (1, 1))
    pf_ref[...] = jnp.concatenate(
        [tile_lo.reshape(1, E), tiles_pe.reshape(1, E),
         jnp.sum(tiles_pe).reshape(1, 1)], axis=1).astype(jnp.int32)


def _routing(h, router_w, router_b):
    outs = (
        jax.ShapeDtypeStruct((T, TOPK), jnp.float32),
        jax.ShapeDtypeStruct((1, E), jnp.float32),
        jax.ShapeDtypeStruct((1, E), jnp.float32),
        jax.ShapeDtypeStruct((1, 1), jnp.float32),
        jax.ShapeDtypeStruct((1, 1), jnp.float32),
        jax.ShapeDtypeStruct((1, 1), jnp.float32),
        jax.ShapeDtypeStruct((TOPK, T), jnp.int32),
        jax.ShapeDtypeStruct((1, 2 * E + 1), jnp.int32),
    )
    return pl.pallas_call(
        _routing_body,
        out_shape=outs,
    )(h, router_w, router_b[None, :])



_TPW = T // _NW


def _sc_dispatch(dest0, dest1, h):
    mesh = plsc.VectorSubcoreMesh(core_axis_name="c", subcore_axis_name="s")

    @functools.partial(
        pl.kernel, mesh=mesh,
        out_type=jax.ShapeDtypeStruct((NPAD, D), jnp.float32),
        scratch_types=[
            pltpu.VMEM((_TPW,), jnp.int32),
            pltpu.VMEM((_TPW,), jnp.int32),
            pltpu.VMEM((_TPW, D), jnp.float32),
            pltpu.SemaphoreType.DMA,
            pltpu.SemaphoreType.DMA,
        ],
    )
    def k(d0_hbm, d1_hbm, x_hbm, out_hbm, i0, i1, xv, sem0, sem1):
        wid = lax.axis_index("s") * _NC + lax.axis_index("c")
        tbase = wid * _TPW
        pltpu.sync_copy(d0_hbm.at[pl.ds(tbase, _TPW)], i0)
        pltpu.sync_copy(d1_hbm.at[pl.ds(tbase, _TPW)], i1)
        pltpu.sync_copy(x_hbm.at[pl.ds(tbase, _TPW)], xv)
        cp0 = pltpu.async_copy(xv, out_hbm.at[i0], sem0)
        cp1 = pltpu.async_copy(xv, out_hbm.at[i1], sem1)
        cp0.wait()
        cp1.wait()

    return k(dest0, dest1, h)



def _sc_combine(gl, outs):
    per_w = NA // _NW
    chunk = 64
    nch = per_w // chunk
    mesh = plsc.VectorSubcoreMesh(core_axis_name="c", subcore_axis_name="s")

    @functools.partial(
        pl.kernel, mesh=mesh,
        out_type=jax.ShapeDtypeStruct((NA, D), jnp.float32),
        scratch_types=[
            pltpu.VMEM((per_w,), jnp.int32),
            pltpu.VMEM((chunk, D), jnp.float32),
            pltpu.VMEM((chunk, D), jnp.float32),
            pltpu.SemaphoreType.DMA,
            pltpu.SemaphoreType.DMA,
        ],
    )
    def k(gl_hbm, src_hbm, out_hbm, idx_v, buf0, buf1, sem0, sem1):
        wid = lax.axis_index("s") * _NC + lax.axis_index("c")
        base = wid * per_w
        pltpu.sync_copy(gl_hbm.at[pl.ds(base, per_w)], idx_v)
        bufs = (buf0, buf1)
        sems = (sem0, sem1)
        cps = []
        for c in range(min(2, nch)):
            cps.append(pltpu.async_copy(
                src_hbm.at[idx_v.at[pl.ds(c * chunk, chunk)]],
                bufs[c % 2], sems[c % 2]))
        for c in range(nch):
            cps[c].wait()
            pltpu.sync_copy(bufs[c % 2],
                            out_hbm.at[pl.ds(base + c * chunk, chunk)])
            nxt = c + 2
            if nxt < nch:
                cps.append(pltpu.async_copy(
                    src_hbm.at[idx_v.at[pl.ds(nxt * chunk, chunk)]],
                    bufs[nxt % 2], sems[nxt % 2]))

    return k(gl, outs)



def _ffn_body(pf_ref, xs_ref, w1_ref, b1_ref, w2_ref, b2_ref, out_ref):
    i = pl.program_id(0)

    @pl.when(i < pf_ref[2 * E])
    def _compute():
        hid = jnp.dot(xs_ref[...], w1_ref[0],
                      preferred_element_type=jnp.float32)
        hid = hid + b1_ref[0]
        hid = hid * 0.5 * (1.0 + jax.lax.erf(hid * 0.7071067811865476))
        out = jnp.dot(hid, w2_ref[0], preferred_element_type=jnp.float32)
        out_ref[...] = out + b2_ref[0]


def _eot(i, pf):
    e = jnp.int32(0)
    for j in range(E):
        e = e + (i >= pf[j] + pf[E + j]).astype(jnp.int32)
    return jnp.minimum(e, E - 1)


def _ffn_grouped(xs, pf, w1, b1, w2, b2):
    grid_spec = pltpu.PrefetchScalarGridSpec(
        num_scalar_prefetch=1,
        grid=(NTILES,),
        in_specs=[
            pl.BlockSpec((TM, D), lambda i, pf: (i, 0)),
            pl.BlockSpec((1, D, H), lambda i, pf: (_eot(i, pf), 0, 0)),
            pl.BlockSpec((1, 1, H), lambda i, pf: (_eot(i, pf), 0, 0)),
            pl.BlockSpec((1, H, D), lambda i, pf: (_eot(i, pf), 0, 0)),
            pl.BlockSpec((1, 1, D), lambda i, pf: (_eot(i, pf), 0, 0)),
        ],
        out_specs=pl.BlockSpec((TM, D), lambda i, pf: (i, 0)),
    )
    return pl.pallas_call(
        _ffn_body,
        grid_spec=grid_spec,
        out_shape=jax.ShapeDtypeStruct((NPAD, D), jnp.float32),
    )(pf, xs, w1, b1[:, None, :], w2, b2[:, None, :])



def _finalize_body(r0_ref, r1_ref, wn_ref, y_ref):
    y_ref[...] = (r0_ref[...] * wn_ref[:, 0:1]
                  + r1_ref[...] * wn_ref[:, 1:2])


def _finalize(rows, wn):
    return pl.pallas_call(
        _finalize_body,
        grid=(1,),
        in_specs=[
            pl.BlockSpec((T, D), lambda i: (0, 0)),
            pl.BlockSpec((T, D), lambda i: (1, 0)),
            pl.BlockSpec((T, TOPK), lambda i: (0, 0)),
        ],
        out_specs=pl.BlockSpec((T, D), lambda i: (0, 0)),
        out_shape=jax.ShapeDtypeStruct((T, D), jnp.float32),
    )(rows, rows, wn)



def kernel(x, router_w, router_b, w1, b1, w2, b2):
    h = x.reshape(T, D)
    wn, fe, pe, lb, zl, ent, dests, pf2 = _routing(h, router_w, router_b)
    pf = pf2.reshape(2 * E + 1)
    dest0 = dests[0]
    dest1 = dests[1]
    xs = _sc_dispatch(dest0, dest1, h)
    outs = _ffn_grouped(xs, pf, w1, b1, w2, b2)
    rows = _sc_combine(dests.reshape(NA), outs)
    y = _finalize(rows, wn)
    return (y.reshape(B, T, D), lb[0, 0], zl[0, 0], ent[0, 0],
            fe[0], pe[0])

# --- scband reference (transcript-rebuilt; emitter-appended) ---
"""Pipeline reference for scband-mo-elayer-80204219285854 (READ-ONLY COPY).

The authoritative reference and input builder live on the scoring server;
editing this copy changes nothing except your own understanding.
"""

import jax, jax.numpy as jnp
import numpy as np

B = 1
T = 2048
D_MODEL = 768
N_EXPERTS = 8
TOPK = 2
D_HIDDEN = int(D_MODEL * 2.0)


def setup_inputs(seed: int = 0) -> dict:
    key = jax.random.key(seed)
    ks = jax.random.split(key, 6)
    x = jax.random.normal(ks[0], (B, T, D_MODEL), dtype=jnp.float32)
    router_w = jax.random.normal(ks[1], (D_MODEL, N_EXPERTS), dtype=jnp.float32) * 0.02
    router_b = jnp.zeros((N_EXPERTS,), dtype=jnp.float32)
    xavier1 = (2.0 / (D_MODEL + D_HIDDEN)) ** 0.5
    xavier2 = (2.0 / (D_HIDDEN + D_MODEL)) ** 0.5
    w1 = jax.random.normal(ks[2], (N_EXPERTS, D_MODEL, D_HIDDEN), dtype=jnp.float32) * xavier1
    b1 = jnp.zeros((N_EXPERTS, D_HIDDEN), dtype=jnp.float32)
    w2 = jax.random.normal(ks[3], (N_EXPERTS, D_HIDDEN, D_MODEL), dtype=jnp.float32) * xavier2
    b2 = jnp.zeros((N_EXPERTS, D_MODEL), dtype=jnp.float32)
    return {"x": x, "router_w": router_w, "router_b": router_b,
            "w1": w1, "b1": b1, "w2": w2, "b2": b2}


def reference(x, router_w, router_b, w1, b1, w2, b2):
    Bb, Tt, d = x.shape
    N = Bb * Tt
    E = router_w.shape[1]
    h = x.reshape(N, d)
    logits = h @ router_w + router_b
    probs = jax.nn.softmax(logits, axis=-1)
    weights, indices = jax.lax.top_k(probs, TOPK)
    weights = weights / (weights.sum(axis=-1, keepdims=True) + 1e-9)
    rows = jnp.arange(N)[:, None]
    M = jnp.zeros((N, E), dtype=bool).at[rows, indices].set(True)
    G = jnp.zeros((N, E), dtype=x.dtype).at[rows, indices].add(weights)
    # Dense equivalent of the per-expert masked loop: G is exactly zero for
    # non-selected (token, expert) pairs, so weighting by G reproduces the
    # masked accumulation y[mask] += expert_out * G[mask, e]
    hidden = jax.nn.gelu(jnp.einsum('nd,edh->enh', h, w1) + b1[:, None, :], approximate=False)
    out_e = jnp.einsum('enh,ehd->end', hidden, w2) + b2[:, None, :]
    y = (out_e * jnp.transpose(G)[:, :, None]).sum(axis=0)
    y = y.reshape(Bb, Tt, d)
    # aux losses
    f_e = M.astype(jnp.float32).mean(axis=0)
    P_e = probs.mean(axis=0)
    lb_loss = -E * (f_e * P_e).sum()
    z = jax.scipy.special.logsumexp(logits, axis=-1)
    z_loss = (z ** 2).mean()
    entropy = -(probs * jnp.log(probs + 1e-10)).sum(axis=-1).mean()
    return (y, lb_loss, z_loss, entropy, f_e, P_e)

if __name__ == "__main__":
    import jax
    _d = setup_inputs()
    print(jax.jit(kernel)(*tuple(_d.values())))

</pallas_src>

<mosaic_0001>
#map = affine_map<(d0, d1) -> (0)>
#map1 = affine_map<(d0, d1) -> (0, 0)>
module attributes {stable_mosaic.version = 14 : i64} {
  func.func @k(%arg0: i32, %arg1: i32, %arg2: memref<4096xi32, #tpu.memory_space<hbm>>, %arg3: memref<7680x768xf32, #tpu.memory_space<hbm>>, %arg4: memref<4096x768xf32, #tpu.memory_space<hbm>>, %arg5: memref<128xi32, #tpu.memory_space<vmem>>, %arg6: memref<64x768xf32, #tpu.memory_space<vmem>>, %arg7: memref<64x768xf32, #tpu.memory_space<vmem>>, %arg8: memref<!tpu.dma_semaphore, #tpu.memory_space<semaphore_mem>>, %arg9: memref<!tpu.dma_semaphore, #tpu.memory_space<semaphore_mem>>) attributes {dimension_semantics = [#tpu.dimension_semantics<core_parallel>, #tpu.dimension_semantics<subcore_parallel>], iteration_bounds = array<i64: 2, 16>, scalar_prefetch = 0 : i64, scratch_operands = 5 : i64, tpu.core_type = #tpu.core_type<sc_vector_subcore>, window_params = [{transform_indices = #map}, {transform_indices = #map1}, {transform_indices = #map1}]} {
    %mul3A = arith.constant 2 : i32
    %mul3A_0 = arith.muli %arg1, %mul3A : i32
    %add3A = arith.addi %mul3A_0, %arg0 : i32
    %mul3A_1 = arith.constant 128 : i32
    %mul3A_2 = arith.muli %add3A, %mul3A_1 : i32
    "tpu.region"() ({
      %run_scoped3A = tpu.sem_alloc : memref<!tpu.dma_semaphore, #tpu.memory_space<semaphore_mem>>
      %dma_start3A_25 = tpu.memref_slice %arg2[%mul3A_2] : memref<4096xi32, #tpu.memory_space<hbm>> -> memref<128xi32, #tpu.memory_space<hbm>>
      %dma_start3A_26 = tpu.memref_slice %arg2[%mul3A_2] : memref<4096xi32, #tpu.memory_space<hbm>> -> memref<128xi32, #tpu.memory_space<hbm>>
      tpu.enqueue_dma source(%dma_start3A_26 : memref<128xi32, #tpu.memory_space<hbm>>) target(%arg5 : memref<128xi32, #tpu.memory_space<vmem>>) target_semaphore(%run_scoped3A : memref<!tpu.dma_semaphore, #tpu.memory_space<semaphore_mem>>)
      %dma_wait3A_27 = tpu.memref_slice %arg2[%mul3A_2] : memref<4096xi32, #tpu.memory_space<hbm>> -> memref<128xi32, #tpu.memory_space<hbm>>
      %dma_wait3A_28 = tpu.memref_slice %arg2[%mul3A_2] : memref<4096xi32, #tpu.memory_space<hbm>> -> memref<128xi32, #tpu.memory_space<hbm>>
      tpu.wait_dma2 semaphore(%run_scoped3A : memref<!tpu.dma_semaphore, #tpu.memory_space<semaphore_mem>>) src(%dma_wait3A_28 : memref<128xi32, #tpu.memory_space<hbm>>) dst(%arg5 : memref<128xi32, #tpu.memory_space<vmem>>)
      tpu.yield
    }) : () -> ()
    %dma_start3A = arith.constant 0 : i32
    %dma_start3A_3 = tpu.memref_slice %arg5[%dma_start3A] : memref<128xi32, #tpu.memory_space<vmem>> -> memref<64xi32, #tpu.memory_space<vmem>>
    %dma_start3A_4 = arith.constant 0 : i32
    %dma_start3A_5 = arith.constant 0 : i32
    %dma_start3A_6 = tpu.memref_slice %arg3[%dma_start3A_4, %dma_start3A_5] : memref<7680x768xf32, #tpu.memory_space<hbm>> -> memref<7680x768xf32, #tpu.memory_space<hbm>>
    tpu.enqueue_indirect_dma source(%dma_start3A_6 : memref<7680x768xf32, #tpu.memory_space<hbm>>) target(%arg6 : memref<64x768xf32, #tpu.memory_space<vmem>>) offsets(%dma_start3A_3 : memref<64xi32, #tpu.memory_space<vmem>>) semaphore(%arg8 : memref<!tpu.dma_semaphore, #tpu.memory_space<semaphore_mem>>)
    %dma_start3A_7 = arith.constant 64 : i32
    %dma_start3A_8 = tpu.memref_slice %arg5[%dma_start3A_7] : memref<128xi32, #tpu.memory_space<vmem>> -> memref<64xi32, #tpu.memory_space<vmem>>
    %dma_start3A_9 = arith.constant 0 : i32
    %dma_start3A_10 = arith.constant 0 : i32
    %dma_start3A_11 = tpu.memref_slice %arg3[%dma_start3A_9, %dma_start3A_10] : memref<7680x768xf32, #tpu.memory_space<hbm>> -> memref<7680x768xf32, #tpu.memory_space<hbm>>
    tpu.enqueue_indirect_dma source(%dma_start3A_11 : memref<7680x768xf32, #tpu.memory_space<hbm>>) target(%arg7 : memref<64x768xf32, #tpu.memory_space<vmem>>) offsets(%dma_start3A_8 : memref<64xi32, #tpu.memory_space<vmem>>) semaphore(%arg9 : memref<!tpu.dma_semaphore, #tpu.memory_space<semaphore_mem>>)
    %dma_wait3A = arith.constant 0 : i32
    %dma_wait3A_12 = tpu.memref_slice %arg5[%dma_wait3A] : memref<128xi32, #tpu.memory_space<vmem>> -> memref<64xi32, #tpu.memory_space<vmem>>
    %dma_wait3A_13 = arith.constant 0 : i32
    %dma_wait3A_14 = arith.constant 0 : i32
    %dma_wait3A_15 = tpu.memref_slice %arg3[%dma_wait3A_13, %dma_wait3A_14] : memref<7680x768xf32, #tpu.memory_space<hbm>> -> memref<7680x768xf32, #tpu.memory_space<hbm>>
    tpu.wait_indirect_dma semaphore(%arg8 : memref<!tpu.dma_semaphore, #tpu.memory_space<semaphore_mem>>) src(%dma_wait3A_15 : memref<7680x768xf32, #tpu.memory_space<hbm>>) dst(%arg6 : memref<64x768xf32, #tpu.memory_space<vmem>>)
    %add3A_16 = arith.constant 0 : i32
    %add3A_17 = arith.addi %mul3A_2, %add3A_16 : i32
    "tpu.region"() ({
      %run_scoped3A = tpu.sem_alloc : memref<!tpu.dma_semaphore, #tpu.memory_space<semaphore_mem>>
      %dma_start3A_25 = arith.constant 0 : i32
      %dma_start3A_26 = tpu.memref_slice %arg4[%add3A_17, %dma_start3A_25] : memref<4096x768xf32, #tpu.memory_space<hbm>> -> memref<64x768xf32, #tpu.memory_space<hbm>>
      %dma_start3A_27 = arith.constant 0 : i32
      %dma_start3A_28 = tpu.memref_slice %arg4[%add3A_17, %dma_start3A_27] : memref<4096x768xf32, #tpu.memory_space<hbm>> -> memref<64x768xf32, #tpu.memory_space<hbm>>
      tpu.enqueue_dma source(%arg6 : memref<64x768xf32, #tpu.memory_space<vmem>>) target(%dma_start3A_28 : memref<64x768xf32, #tpu.memory_space<hbm>>) target_semaphore(%run_scoped3A : memref<!tpu.dma_semaphore, #tpu.memory_space<semaphore_mem>>)
      %dma_wait3A_29 = arith.constant 0 : i32
      %dma_wait3A_30 = tpu.memref_slice %arg4[%add3A_17, %dma_wait3A_29] : memref<4096x768xf32, #tpu.memory_space<hbm>> -> memref<64x768xf32, #tpu.memory_space<hbm>>
      %dma_wait3A_31 = arith.constant 0 : i32
      %dma_wait3A_32 = tpu.memref_slice %arg4[%add3A_17, %dma_wait3A_31] : memref<4096x768xf32, #tpu.memory_space<hbm>> -> memref<64x768xf32, #tpu.memory_space<hbm>>
      tpu.wait_dma2 semaphore(%run_scoped3A : memref<!tpu.dma_semaphore, #tpu.memory_space<semaphore_mem>>) src(%arg6 : memref<64x768xf32, #tpu.memory_space<vmem>>) dst(%dma_wait3A_32 : memref<64x768xf32, #tpu.memory_space<hbm>>)
      tpu.yield
    }) : () -> ()
    %dma_wait3A_18 = arith.constant 64 : i32
    %dma_wait3A_19 = tpu.memref_slice %arg5[%dma_wait3A_18] : memref<128xi32, #tpu.memory_space<vmem>> -> memref<64xi32, #tpu.memory_space<vmem>>
    %dma_wait3A_20 = arith.constant 0 : i32
    %dma_wait3A_21 = arith.constant 0 : i32
    %dma_wait3A_22 = tpu.memref_slice %arg3[%dma_wait3A_20, %dma_wait3A_21] : memref<7680x768xf32, #tpu.memory_space<hbm>> -> memref<7680x768xf32, #tpu.memory_space<hbm>>
    tpu.wait_indirect_dma semaphore(%arg9 : memref<!tpu.dma_semaphore, #tpu.memory_space<semaphore_mem>>) src(%dma_wait3A_22 : memref<7680x768xf32, #tpu.memory_space<hbm>>) dst(%arg7 : memref<64x768xf32, #tpu.memory_space<vmem>>)
    %add3A_23 = arith.constant 64 : i32
    %add3A_24 = arith.addi %mul3A_2, %add3A_23 : i32
    "tpu.region"() ({
      %run_scoped3A = tpu.sem_alloc : memref<!tpu.dma_semaphore, #tpu.memory_space<semaphore_mem>>
      %dma_start3A_25 = arith.constant 0 : i32
      %dma_start3A_26 = tpu.memref_slice %arg4[%add3A_24, %dma_start3A_25] : memref<4096x768xf32, #tpu.memory_space<hbm>> -> memref<64x768xf32, #tpu.memory_space<hbm>>
      %dma_start3A_27 = arith.constant 0 : i32
      %dma_start3A_28 = tpu.memref_slice %arg4[%add3A_24, %dma_start3A_27] : memref<4096x768xf32, #tpu.memory_space<hbm>> -> memref<64x768xf32, #tpu.memory_space<hbm>>
      tpu.enqueue_dma source(%arg7 : memref<64x768xf32, #tpu.memory_space<vmem>>) target(%dma_start3A_28 : memref<64x768xf32, #tpu.memory_space<hbm>>) target_semaphore(%run_scoped3A : memref<!tpu.dma_semaphore, #tpu.memory_space<semaphore_mem>>)
      %dma_wait3A_29 = arith.constant 0 : i32
      %dma_wait3A_30 = tpu.memref_slice %arg4[%add3A_24, %dma_wait3A_29] : memref<4096x768xf32, #tpu.memory_space<hbm>> -> memref<64x768xf32, #tpu.memory_space<hbm>>
      %dma_wait3A_31 = arith.constant 0 : i32
      %dma_wait3A_32 = tpu.memref_slice %arg4[%add3A_24, %dma_wait3A_31] : memref<4096x768xf32, #tpu.memory_space<hbm>> -> memref<64x768xf32, #tpu.memory_space<hbm>>
      tpu.wait_dma2 semaphore(%run_scoped3A : memref<!tpu.dma_semaphore, #tpu.memory_space<semaphore_mem>>) src(%arg7 : memref<64x768xf32, #tpu.memory_space<vmem>>) dst(%dma_wait3A_32 : memref<64x768xf32, #tpu.memory_space<hbm>>)
      tpu.yield
    }) : () -> ()
    return
  }
}

#map = affine_map<(d0, d1) -> (0)>
#map1 = affine_map<(d0, d1) -> (0, 0)>
module attributes {stable_mosaic.version = 14 : i64} {
  func.func @k(%arg0: i32, %arg1: i32, %arg2: memref<2048xi32, #tpu.memory_space<hbm>>, %arg3: memref<2048xi32, #tpu.memory_space<hbm>>, %arg4: memref<2048x768xf32, #tpu.memory_space<hbm>>, %arg5: memref<7680x768xf32, #tpu.memory_space<hbm>>, %arg6: memref<64xi32, #tpu.memory_space<vmem>>, %arg7: memref<64xi32, #tpu.memory_space<vmem>>, %arg8: memref<64x768xf32, #tpu.memory_space<vmem>>, %arg9: memref<!tpu.dma_semaphore, #tpu.memory_space<semaphore_mem>>, %arg10: memref<!tpu.dma_semaphore, #tpu.memory_space<semaphore_mem>>) attributes {dimension_semantics = [#tpu.dimension_semantics<core_parallel>, #tpu.dimension_semantics<subcore_parallel>], iteration_bounds = array<i64: 2, 16>, scalar_prefetch = 0 : i64, scratch_operands = 5 : i64, tpu.core_type = #tpu.core_type<sc_vector_subcore>, window_params = [{transform_indices = #map}, {transform_indices = #map}, {transform_indices = #map1}, {transform_indices = #map1}]} {
    %mul3A = arith.constant 2 : i32
    %mul3A_0 = arith.muli %arg1, %mul3A : i32
    %add3A = arith.addi %mul3A_0, %arg0 : i32
    %mul3A_1 = arith.constant 64 : i32
    %mul3A_2 = arith.muli %add3A, %mul3A_1 : i32
    "tpu.region"() ({
      %run_scoped3A = tpu.sem_alloc : memref<!tpu.dma_semaphore, #tpu.memory_space<semaphore_mem>>
      %dma_start3A_13 = tpu.memref_slice %arg2[%mul3A_2] : memref<2048xi32, #tpu.memory_space<hbm>> -> memref<64xi32, #tpu.memory_space<hbm>>
      %dma_start3A_14 = tpu.memref_slice %arg2[%mul3A_2] : memref<2048xi32, #tpu.memory_space<hbm>> -> memref<64xi32, #tpu.memory_space<hbm>>
      tpu.enqueue_dma source(%dma_start3A_14 : memref<64xi32, #tpu.memory_space<hbm>>) target(%arg6 : memref<64xi32, #tpu.memory_space<vmem>>) target_semaphore(%run_scoped3A : memref<!tpu.dma_semaphore, #tpu.memory_space<semaphore_mem>>)
      %dma_wait3A_15 = tpu.memref_slice %arg2[%mul3A_2] : memref<2048xi32, #tpu.memory_space<hbm>> -> memref<64xi32, #tpu.memory_space<hbm>>
      %dma_wait3A_16 = tpu.memref_slice %arg2[%mul3A_2] : memref<2048xi32, #tpu.memory_space<hbm>> -> memref<64xi32, #tpu.memory_space<hbm>>
      tpu.wait_dma2 semaphore(%run_scoped3A : memref<!tpu.dma_semaphore, #tpu.memory_space<semaphore_mem>>) src(%dma_wait3A_16 : memref<64xi32, #tpu.memory_space<hbm>>) dst(%arg6 : memref<64xi32, #tpu.memory_space<vmem>>)
      tpu.yield
    }) : () -> ()
    "tpu.region"() ({
      %run_scoped3A = tpu.sem_alloc : memref<!tpu.dma_semaphore, #tpu.memory_space<semaphore_mem>>
      %dma_start3A_13 = tpu.memref_slice %arg3[%mul3A_2] : memref<2048xi32, #tpu.memory_space<hbm>> -> memref<64xi32, #tpu.memory_space<hbm>>
      %dma_start3A_14 = tpu.memref_slice %arg3[%mul3A_2] : memref<2048xi32, #tpu.memory_space<hbm>> -> memref<64xi32, #tpu.memory_space<hbm>>
      tpu.enqueue_dma source(%dma_start3A_14 : memref<64xi32, #tpu.memory_space<hbm>>) target(%arg7 : memref<64xi32, #tpu.memory_space<vmem>>) target_semaphore(%run_scoped3A : memref<!tpu.dma_semaphore, #tpu.memory_space<semaphore_mem>>)
      %dma_wait3A_15 = tpu.memref_slice %arg3[%mul3A_2] : memref<2048xi32, #tpu.memory_space<hbm>> -> memref<64xi32, #tpu.memory_space<hbm>>
      %dma_wait3A_16 = tpu.memref_slice %arg3[%mul3A_2] : memref<2048xi32, #tpu.memory_space<hbm>> -> memref<64xi32, #tpu.memory_space<hbm>>
      tpu.wait_dma2 semaphore(%run_scoped3A : memref<!tpu.dma_semaphore, #tpu.memory_space<semaphore_mem>>) src(%dma_wait3A_16 : memref<64xi32, #tpu.memory_space<hbm>>) dst(%arg7 : memref<64xi32, #tpu.memory_space<vmem>>)
      tpu.yield
    }) : () -> ()
    "tpu.region"() ({
      %run_scoped3A = tpu.sem_alloc : memref<!tpu.dma_semaphore, #tpu.memory_space<semaphore_mem>>
      %dma_start3A_13 = arith.constant 0 : i32
      %dma_start3A_14 = tpu.memref_slice %arg4[%mul3A_2, %dma_start3A_13] : memref<2048x768xf32, #tpu.memory_space<hbm>> -> memref<64x768xf32, #tpu.memory_space<hbm>>
      %dma_start3A_15 = arith.constant 0 : i32
      %dma_start3A_16 = tpu.memref_slice %arg4[%mul3A_2, %dma_start3A_15] : memref<2048x768xf32, #tpu.memory_space<hbm>> -> memref<64x768xf32, #tpu.memory_space<hbm>>
      tpu.enqueue_dma source(%dma_start3A_16 : memref<64x768xf32, #tpu.memory_space<hbm>>) target(%arg8 : memref<64x768xf32, #tpu.memory_space<vmem>>) target_semaphore(%run_scoped3A : memref<!tpu.dma_semaphore, #tpu.memory_space<semaphore_mem>>)
      %dma_wait3A_17 = arith.constant 0 : i32
      %dma_wait3A_18 = tpu.memref_slice %arg4[%mul3A_2, %dma_wait3A_17] : memref<2048x768xf32, #tpu.memory_space<hbm>> -> memref<64x768xf32, #tpu.memory_space<hbm>>
      %dma_wait3A_19 = arith.constant 0 : i32
      %dma_wait3A_20 = tpu.memref_slice %arg4[%mul3A_2, %dma_wait3A_19] : memref<2048x768xf32, #tpu.memory_space<hbm>> -> memref<64x768xf32, #tpu.memory_space<hbm>>
      tpu.wait_dma2 semaphore(%run_scoped3A : memref<!tpu.dma_semaphore, #tpu.memory_space<semaphore_mem>>) src(%dma_wait3A_20 : memref<64x768xf32, #tpu.memory_space<hbm>>) dst(%arg8 : memref<64x768xf32, #tpu.memory_space<vmem>>)
      tpu.yield
    }) : () -> ()
    %dma_start3A = arith.constant 0 : i32
    %dma_start3A_3 = arith.constant 0 : i32
    %dma_start3A_4 = tpu.memref_slice %arg5[%dma_start3A, %dma_start3A_3] : memref<7680x768xf32, #tpu.memory_space<hbm>> -> memref<7680x768xf32, #tpu.memory_space<hbm>>
    tpu.enqueue_indirect_dma source(%arg8 : memref<64x768xf32, #tpu.memory_space<vmem>>) target(%dma_start3A_4 : memref<7680x768xf32, #tpu.memory_space<hbm>>) offsets(%arg6 : memref<64xi32, #tpu.memory_space<vmem>>) semaphore(%arg9 : memref<!tpu.dma_semaphore, #tpu.memory_space<semaphore_mem>>)
    %dma_start3A_5 = arith.constant 0 : i32
    %dma_start3A_6 = arith.constant 0 : i32
    %dma_start3A_7 = tpu.memref_slice %arg5[%dma_start3A_5, %dma_start3A_6] : memref<7680x768xf32, #tpu.memory_space<hbm>> -> memref<7680x768xf32, #tpu.memory_space<hbm>>
    tpu.enqueue_indirect_dma source(%arg8 : memref<64x768xf32, #tpu.memory_space<vmem>>) target(%dma_start3A_7 : memref<7680x768xf32, #tpu.memory_space<hbm>>) offsets(%arg7 : memref<64xi32, #tpu.memory_space<vmem>>) semaphore(%arg10 : memref<!tpu.dma_semaphore, #tpu.memory_space<semaphore_mem>>)
    %dma_wait3A = arith.constant 0 : i32
    %dma_wait3A_8 = arith.constant 0 : i32
    %dma_wait3A_9 = tpu.memref_slice %arg5[%dma_wait3A, %dma_wait3A_8] : memref<7680x768xf32, #tpu.memory_space<hbm>> -> memref<7680x768xf32, #tpu.memory_space<hbm>>
    tpu.wait_indirect_dma semaphore(%arg9 : memref<!tpu.dma_semaphore, #tpu.memory_space<semaphore_mem>>) src(%arg8 : memref<64x768xf32, #tpu.memory_space<vmem>>) dst(%dma_wait3A_9 : memref<7680x768xf32, #tpu.memory_space<hbm>>)
    %dma_wait3A_10 = arith.constant 0 : i32
    %dma_wait3A_11 = arith.constant 0 : i32
    %dma_wait3A_12 = tpu.memref_slice %arg5[%dma_wait3A_10, %dma_wait3A_11] : memref<7680x768xf32, #tpu.memory_space<hbm>> -> memref<7680x768xf32, #tpu.memory_space<hbm>>
    tpu.wait_indirect_dma semaphore(%arg10 : memref<!tpu.dma_semaphore, #tpu.memory_space<semaphore_mem>>) src(%arg8 : memref<64x768xf32, #tpu.memory_space<vmem>>) dst(%dma_wait3A_12 : memref<7680x768xf32, #tpu.memory_space<hbm>>)
    return
  }
}

module attributes {stable_mosaic.version = 14 : i64} {
  func.func @_routing_body(%arg0: memref<2048x768xf32, #tpu.memory_space<vmem>>, %arg1: memref<768x8xf32, #tpu.memory_space<vmem>>, %arg2: memref<1x8xf32, #tpu.memory_space<vmem>>, %arg3: memref<2048x2xf32, #tpu.memory_space<vmem>>, %arg4: memref<1x8xf32, #tpu.memory_space<vmem>>, %arg5: memref<1x8xf32, #tpu.memory_space<vmem>>, %arg6: memref<1x1xf32, #tpu.memory_space<vmem>>, %arg7: memref<1x1xf32, #tpu.memory_space<vmem>>, %arg8: memref<1x1xf32, #tpu.memory_space<vmem>>, %arg9: memref<2x2048xi32, #tpu.memory_space<vmem>>, %arg10: memref<1x17xi32, #tpu.memory_space<vmem>>) attributes {dimension_semantics = [], scalar_prefetch = 0 : i64, scratch_operands = 0 : i64, tpu.core_type = #tpu.core_type<tc>} {
    %get3A = arith.constant 0 : index
    %get3A_0 = arith.constant 0 : index
    %get3A_1 = vector.load %arg0[%get3A, %get3A_0] : memref<2048x768xf32, #tpu.memory_space<vmem>>, vector<2048x768xf32>
    %get3A_2 = arith.constant 0 : index
    %get3A_3 = arith.constant 0 : index
    %get3A_4 = vector.load %arg1[%get3A_2, %get3A_3] : memref<768x8xf32, #tpu.memory_space<vmem>>, vector<768x8xf32>
    %dot_general3A = arith.constant dense<0.000000e+00> : vector<2048x8xf32>
    %dot_general3A_5 = tpu.matmul %get3A_1, %get3A_4, %dot_general3A {dimension_numbers = #tpu.dot_dimension_numbers<[1], [0], [0], [1], [0, 0, 1, 1], [], []>, transpose_lhs_hint = false} : vector<2048x768xf32>, vector<768x8xf32>, vector<2048x8xf32> -> vector<2048x8xf32>
    %get3A_6 = arith.constant 0 : index
    %get3A_7 = arith.constant 0 : index
    %get3A_8 = vector.load %arg2[%get3A_6, %get3A_7] : memref<1x8xf32, #tpu.memory_space<vmem>>, vector<1x8xf32>
    %add3A = vector.broadcast %get3A_8 : vector<1x8xf32> to vector<2048x8xf32>
    %add3A_9 = arith.addf %dot_general3A_5, %add3A : vector<2048x8xf32>
    %reduce_max3A = arith.constant dense<0xFF800000> : vector<2048xf32>
    %reduce_max3A_10 = vector.multi_reduction <maximumf>, %add3A_9, %reduce_max3A [1] : vector<2048x8xf32> to vector<2048xf32>
    %broadcast_in_dim3A = vector.shape_cast %reduce_max3A_10 : vector<2048xf32> to vector<2048x1xf32>
    %sub3A = vector.broadcast %broadcast_in_dim3A : vector<2048x1xf32> to vector<2048x8xf32>
    %sub3A_11 = arith.subf %add3A_9, %sub3A : vector<2048x8xf32>
    %exp3A = math.exp %sub3A_11 : vector<2048x8xf32>
    %reduce_sum3A = arith.constant dense<0.000000e+00> : vector<2048xf32>
    %reduce_sum3A_12 = vector.multi_reduction <add>, %exp3A, %reduce_sum3A [1] : vector<2048x8xf32> to vector<2048xf32>
    %broadcast_in_dim3A_13 = vector.shape_cast %reduce_sum3A_12 : vector<2048xf32> to vector<2048x1xf32>
    %div3A = vector.broadcast %broadcast_in_dim3A_13 : vector<2048x1xf32> to vector<2048x8xf32>
    %div3A_14 = arith.divf %exp3A, %div3A : vector<2048x8xf32>
    %squeeze3A = vector.shape_cast %broadcast_in_dim3A : vector<2048x1xf32> to vector<2048xf32>
    %squeeze3A_15 = vector.shape_cast %broadcast_in_dim3A_13 : vector<2048x1xf32> to vector<2048xf32>
    %log3A = math.log %squeeze3A_15 : vector<2048xf32>
    %add3A_16 = arith.addf %squeeze3A, %log3A : vector<2048xf32>
    %iota3A = tpu.iota {dimensions = array<i32: 1>} : vector<2048x8xi32>
    %reduce_max3A_17 = arith.constant dense<0xFF800000> : vector<2048xf32>
    %reduce_max3A_18 = vector.multi_reduction <maximumf>, %div3A_14, %reduce_max3A_17 [1] : vector<2048x8xf32> to vector<2048xf32>
    %broadcast_in_dim3A_19 = vector.shape_cast %reduce_max3A_18 : vector<2048xf32> to vector<2048x1xf32>
    %eq3A = vector.broadcast %broadcast_in_dim3A_19 : vector<2048x1xf32> to vector<2048x8xf32>
    %eq3A_20 = arith.cmpf oeq, %div3A_14, %eq3A : vector<2048x8xf32>
    %jit3A = arith.constant 8 : i32
    %broadcast_in_dim3A_21 = vector.broadcast %jit3A : i32 to vector<2048x8xi32>
    %select_n3A = arith.select %eq3A_20, %iota3A, %broadcast_in_dim3A_21 : vector<2048x8xi1>, vector<2048x8xi32>
    %reduce_min3A = arith.constant dense<2147483647> : vector<2048xi32>
    %reduce_min3A_22 = vector.multi_reduction <minsi>, %select_n3A, %reduce_min3A [1] : vector<2048x8xi32> to vector<2048xi32>
    %broadcast_in_dim3A_23 = vector.shape_cast %reduce_min3A_22 : vector<2048xi32> to vector<2048x1xi32>
    %eq3A_24 = vector.broadcast %broadcast_in_dim3A_23 : vector<2048x1xi32> to vector<2048x8xi32>
    %eq3A_25 = arith.cmpi eq, %iota3A, %eq3A_24 : vector<2048x8xi32>
    %jit3A_26 = arith.constant 0xFF800000 : f32
    %broadcast_in_dim3A_27 = vector.broadcast %jit3A_26 : f32 to vector<2048x8xf32>
    %select_n3A_28 = arith.select %eq3A_25, %broadcast_in_dim3A_27, %div3A_14 : vector<2048x8xi1>, vector<2048x8xf32>
    %reduce_max3A_29 = arith.constant dense<0xFF800000> : vector<2048xf32>
    %reduce_max3A_30 = vector.multi_reduction <maximumf>, %select_n3A_28, %reduce_max3A_29 [1] : vector<2048x8xf32> to vector<2048xf32>
    %broadcast_in_dim3A_31 = vector.shape_cast %reduce_max3A_30 : vector<2048xf32> to vector<2048x1xf32>
    %eq3A_32 = vector.broadcast %broadcast_in_dim3A_31 : vector<2048x1xf32> to vector<2048x8xf32>
    %eq3A_33 = arith.cmpf oeq, %select_n3A_28, %eq3A_32 : vector<2048x8xf32>
    %jit3A_34 = arith.constant 8 : i32
    %broadcast_in_dim3A_35 = vector.broadcast %jit3A_34 : i32 to vector<2048x8xi32>
    %select_n3A_36 = arith.select %eq3A_33, %iota3A, %broadcast_in_dim3A_35 : vector<2048x8xi1>, vector<2048x8xi32>
    %reduce_min3A_37 = arith.constant dense<2147483647> : vector<2048xi32>
    %reduce_min3A_38 = vector.multi_reduction <minsi>, %select_n3A_36, %reduce_min3A_37 [1] : vector<2048x8xi32> to vector<2048xi32>
    %broadcast_in_dim3A_39 = vector.shape_cast %reduce_min3A_38 : vector<2048xi32> to vector<2048x1xi32>
    %add3A_40 = arith.addf %broadcast_in_dim3A_19, %broadcast_in_dim3A_31 : vector<2048x1xf32>
    %add3A_41 = arith.constant 9.99999971E-10 : f32
    %add3A_42 = vector.broadcast %add3A_41 : f32 to vector<2048x1xf32>
    %add3A_43 = arith.addf %add3A_40, %add3A_42 : vector<2048x1xf32>
    %div3A_44 = arith.divf %broadcast_in_dim3A_19, %add3A_43 : vector<2048x1xf32>
    %div3A_45 = arith.divf %broadcast_in_dim3A_31, %add3A_43 : vector<2048x1xf32>
    %concatenate3A = tpu.concatenate %div3A_44, %div3A_45 in 1 : vector<2048x1xf32>, vector<2048x1xf32> -> vector<2048x2xf32>
    %swap3A = arith.constant 0 : index
    %swap3A_46 = arith.constant 0 : index
    %swap3A_47 = vector.load %arg3[%swap3A, %swap3A_46] : memref<2048x2xf32, #tpu.memory_space<vmem>>, vector<2048x2xf32>
    tpu.vector_store %arg3[%swap3A, %swap3A_46], %concatenate3A {strides = array<i32>} : memref<2048x2xf32, #tpu.memory_space<vmem>>, vector<2048x2xf32>,
    %reduce_sum3A_48 = arith.constant dense<0.000000e+00> : vector<8xf32>
    %reduce_sum3A_49 = vector.multi_reduction <add>, %div3A_14, %reduce_sum3A_48 [0] : vector<2048x8xf32> to vector<8xf32>
    %div3A_50 = arith.constant 2.048000e+03 : f32
    %div3A_51 = vector.broadcast %div3A_50 : f32 to vector<8xf32>
    %div3A_52 = arith.divf %reduce_sum3A_49, %div3A_51 : vector<8xf32>
    %broadcast_in_dim3A_53 = vector.shape_cast %div3A_52 : vector<8xf32> to vector<1x8xf32>
    %swap3A_54 = arith.constant 0 : index
    %swap3A_55 = arith.constant 0 : index
    %swap3A_56 = vector.load %arg5[%swap3A_54, %swap3A_55] : memref<1x8xf32, #tpu.memory_space<vmem>>, vector<1x8xf32>
    tpu.vector_store %arg5[%swap3A_54, %swap3A_55], %broadcast_in_dim3A_53 {strides = array<i32>} : memref<1x8xf32, #tpu.memory_space<vmem>>, vector<1x8xf32>,
    %mul3A = arith.mulf %add3A_16, %add3A_16 : vector<2048xf32>
    %reduce_sum3A_57 = vector.shape_cast %mul3A : vector<2048xf32> to vector<1x2048xf32>
    %reduce_sum3A_58 = arith.constant dense<0.000000e+00> : vector<1xf32>
    %reduce_sum3A_59 = vector.multi_reduction <add>, %reduce_sum3A_57, %reduce_sum3A_58 [1] : vector<1x2048xf32> to vector<1xf32>
    %reduce_sum3A_60 = vector.shape_cast %reduce_sum3A_59 : vector<1xf32> to vector<1x1xf32>
    %reduce_sum3A_61 = vector.extract %reduce_sum3A_60[0, 0] : f32 from vector<1x1xf32>
    %div3A_62 = arith.constant 2.048000e+03 : f32
    %div3A_63 = arith.divf %reduce_sum3A_61, %div3A_62 : f32
    %reshape3A = vector.broadcast %div3A_63 : f32 to vector<1x1xf32>
    %swap3A_64 = arith.constant 0 : index
    %swap3A_65 = arith.constant 0 : index
    %swap3A_66 = vector.load %arg7[%swap3A_64, %swap3A_65] : memref<1x1xf32, #tpu.memory_space<vmem>>, vector<1x1xf32>
    tpu.vector_store %arg7[%swap3A_64, %swap3A_65], %reshape3A {strides = array<i32>} : memref<1x1xf32, #tpu.memory_space<vmem>>, vector<1x1xf32>,
    %add3A_67 = arith.constant 1.000000e-10 : f32
    %add3A_68 = vector.broadcast %add3A_67 : f32 to vector<2048x8xf32>
    %add3A_69 = arith.addf %div3A_14, %add3A_68 : vector<2048x8xf32>
    %log3A_70 = math.log %add3A_69 : vector<2048x8xf32>
    %mul3A_71 = arith.mulf %div3A_14, %log3A_70 : vector<2048x8xf32>
    %reduce_sum3A_72 = arith.constant dense<0.000000e+00> : vector<2048xf32>
    %reduce_sum3A_73 = vector.multi_reduction <add>, %mul3A_71, %reduce_sum3A_72 [1] : vector<2048x8xf32> to vector<2048xf32>
    %neg3A = arith.constant 0.000000e+00 : f32
    %neg3A_74 = vector.broadcast %neg3A : f32 to vector<2048xf32>
    %neg3A_75 = arith.subf %neg3A_74, %reduce_sum3A_73 : vector<2048xf32>
    %reduce_sum3A_76 = vector.shape_cast %neg3A_75 : vector<2048xf32> to vector<1x2048xf32>
    %reduce_sum3A_77 = arith.constant dense<0.000000e+00> : vector<1xf32>
    %reduce_sum3A_78 = vector.multi_reduction <add>, %reduce_sum3A_76, %reduce_sum3A_77 [1] : vector<1x2048xf32> to vector<1xf32>
    %reduce_sum3A_79 = vector.shape_cast %reduce_sum3A_78 : vector<1xf32> to vector<1x1xf32>
    %reduce_sum3A_80 = vector.extract %reduce_sum3A_79[0, 0] : f32 from vector<1x1xf32>
    %div3A_81 = arith.constant 2.048000e+03 : f32
    %div3A_82 = arith.divf %reduce_sum3A_80, %div3A_81 : f32
    %reshape3A_83 = vector.broadcast %div3A_82 : f32 to vector<1x1xf32>
    %swap3A_84 = arith.constant 0 : index
    %swap3A_85 = arith.constant 0 : index
    %swap3A_86 = vector.load %arg8[%swap3A_84, %swap3A_85] : memref<1x1xf32, #tpu.memory_space<vmem>>, vector<1x1xf32>
    tpu.vector_store %arg8[%swap3A_84, %swap3A_85], %reshape3A_83 {strides = array<i32>} : memref<1x1xf32, #tpu.memory_space<vmem>>, vector<1x1xf32>,
    %reshape3A_87 = vector.shape_cast %broadcast_in_dim3A_23 : vector<2048x1xi32> to vector<1x2048xi32>
    %reshape3A_88 = vector.shape_cast %broadcast_in_dim3A_39 : vector<2048x1xi32> to vector<1x2048xi32>
    %iota3A_89 = tpu.iota {dimensions = array<i32: 0>} : vector<8x2048xi32>
    %eq3A_90 = vector.broadcast %reshape3A_87 : vector<1x2048xi32> to vector<8x2048xi32>
    %eq3A_91 = arith.cmpi eq, %iota3A_89, %eq3A_90 : vector<8x2048xi32>
    %eq3A_92 = vector.broadcast %reshape3A_88 : vector<1x2048xi32> to vector<8x2048xi32>
    %eq3A_93 = arith.cmpi eq, %iota3A_89, %eq3A_92 : vector<8x2048xi32>
    %convert_element_type3A = arith.extui %eq3A_91 : vector<8x2048xi1> to vector<8x2048xi32>
    %convert_element_type3A_94 = arith.sitofp %convert_element_type3A : vector<8x2048xi32> to vector<8x2048xf32>
    %convert_element_type3A_95 = arith.extui %eq3A_93 : vector<8x2048xi1> to vector<8x2048xi32>
    %convert_element_type3A_96 = arith.sitofp %convert_element_type3A_95 : vector<8x2048xi32> to vector<8x2048xf32>
    %add3A_97 = arith.addf %convert_element_type3A_94, %convert_element_type3A_96 : vector<8x2048xf32>
    %broadcast_in_dim3A_98 = arith.constant 0.000000e+00 : f32
    %broadcast_in_dim3A_99 = vector.broadcast %broadcast_in_dim3A_98 : f32 to vector<8x1xf32>
    %slice3A = vector.extract_strided_slice %add3A_97 {offsets = [0, 0], sizes = [8, 2047], strides = [1, 1]} : vector<8x2048xf32> to vector<8x2047xf32>
    %concatenate3A_100 = tpu.concatenate %broadcast_in_dim3A_99, %slice3A in 1 : vector<8x1xf32>, vector<8x2047xf32> -> vector<8x2048xf32>
    %add3A_101 = arith.addf %add3A_97, %concatenate3A_100 : vector<8x2048xf32>
    %broadcast_in_dim3A_102 = arith.constant 0.000000e+00 : f32
    %broadcast_in_dim3A_103 = vector.broadcast %broadcast_in_dim3A_102 : f32 to vector<8x2xf32>
    %slice3A_104 = vector.extract_strided_slice %add3A_101 {offsets = [0, 0], sizes = [8, 2046], strides = [1, 1]} : vector<8x2048xf32> to vector<8x2046xf32>
    %concatenate3A_105 = tpu.concatenate %broadcast_in_dim3A_103, %slice3A_104 in 1 : vector<8x2xf32>, vector<8x2046xf32> -> vector<8x2048xf32>
    %add3A_106 = arith.addf %add3A_101, %concatenate3A_105 : vector<8x2048xf32>
    %broadcast_in_dim3A_107 = arith.constant 0.000000e+00 : f32
    %broadcast_in_dim3A_108 = vector.broadcast %broadcast_in_dim3A_107 : f32 to vector<8x4xf32>
    %slice3A_109 = vector.extract_strided_slice %add3A_106 {offsets = [0, 0], sizes = [8, 2044], strides = [1, 1]} : vector<8x2048xf32> to vector<8x2044xf32>
    %concatenate3A_110 = tpu.concatenate %broadcast_in_dim3A_108, %slice3A_109 in 1 : vector<8x4xf32>, vector<8x2044xf32> -> vector<8x2048xf32>
    %add3A_111 = arith.addf %add3A_106, %concatenate3A_110 : vector<8x2048xf32>
    %broadcast_in_dim3A_112 = arith.constant 0.000000e+00 : f32
    %broadcast_in_dim3A_113 = vector.broadcast %broadcast_in_dim3A_112 : f32 to vector<8x8xf32>
    %slice3A_114 = vector.extract_strided_slice %add3A_111 {offsets = [0, 0], sizes = [8, 2040], strides = [1, 1]} : vector<8x2048xf32> to vector<8x2040xf32>
    %concatenate3A_115 = tpu.concatenate %broadcast_in_dim3A_113, %slice3A_114 in 1 : vector<8x8xf32>, vector<8x2040xf32> -> vector<8x2048xf32>
    %add3A_116 = arith.addf %add3A_111, %concatenate3A_115 : vector<8x2048xf32>
    %broadcast_in_dim3A_117 = arith.constant 0.000000e+00 : f32
    %broadcast_in_dim3A_118 = vector.broadcast %broadcast_in_dim3A_117 : f32 to vector<8x16xf32>
    %slice3A_119 = vector.extract_strided_slice %add3A_116 {offsets = [0, 0], sizes = [8, 2032], strides = [1, 1]} : vector<8x2048xf32> to vector<8x2032xf32>
    %concatenate3A_120 = tpu.concatenate %broadcast_in_dim3A_118, %slice3A_119 in 1 : vector<8x16xf32>, vector<8x2032xf32> -> vector<8x2048xf32>
    %add3A_121 = arith.addf %add3A_116, %concatenate3A_120 : vector<8x2048xf32>
    %broadcast_in_dim3A_122 = arith.constant 0.000000e+00 : f32
    %broadcast_in_dim3A_123 = vector.broadcast %broadcast_in_dim3A_122 : f32 to vector<8x32xf32>
    %slice3A_124 = vector.extract_strided_slice %add3A_121 {offsets = [0, 0], sizes = [8, 2016], strides = [1, 1]} : vector<8x2048xf32> to vector<8x2016xf32>
    %concatenate3A_125 = tpu.concatenate %broadcast_in_dim3A_123, %slice3A_124 in 1 : vector<8x32xf32>, vector<8x2016xf32> -> vector<8x2048xf32>
    %add3A_126 = arith.addf %add3A_121, %concatenate3A_125 : vector<8x2048xf32>
    %broadcast_in_dim3A_127 = arith.constant 0.000000e+00 : f32
    %broadcast_in_dim3A_128 = vector.broadcast %broadcast_in_dim3A_127 : f32 to vector<8x64xf32>
    %slice3A_129 = vector.extract_strided_slice %add3A_126 {offsets = [0, 0], sizes = [8, 1984], strides = [1, 1]} : vector<8x2048xf32> to vector<8x1984xf32>
    %concatenate3A_130 = tpu.concatenate %broadcast_in_dim3A_128, %slice3A_129 in 1 : vector<8x64xf32>, vector<8x1984xf32> -> vector<8x2048xf32>
    %add3A_131 = arith.addf %add3A_126, %concatenate3A_130 : vector<8x2048xf32>
    %broadcast_in_dim3A_132 = arith.constant 0.000000e+00 : f32
    %broadcast_in_dim3A_133 = vector.broadcast %broadcast_in_dim3A_132 : f32 to vector<8x128xf32>
    %slice3A_134 = vector.extract_strided_slice %add3A_131 {offsets = [0, 0], sizes = [8, 1920], strides = [1, 1]} : vector<8x2048xf32> to vector<8x1920xf32>
    %concatenate3A_135 = tpu.concatenate %broadcast_in_dim3A_133, %slice3A_134 in 1 : vector<8x128xf32>, vector<8x1920xf32> -> vector<8x2048xf32>
    %add3A_136 = arith.addf %add3A_131, %concatenate3A_135 : vector<8x2048xf32>
    %broadcast_in_dim3A_137 = arith.constant 0.000000e+00 : f32
    %broadcast_in_dim3A_138 = vector.broadcast %broadcast_in_dim3A_137 : f32 to vector<8x256xf32>
    %slice3A_139 = vector.extract_strided_slice %add3A_136 {offsets = [0, 0], sizes = [8, 1792], strides = [1, 1]} : vector<8x2048xf32> to vector<8x1792xf32>
    %concatenate3A_140 = tpu.concatenate %broadcast_in_dim3A_138, %slice3A_139 in 1 : vector<8x256xf32>, vector<8x1792xf32> -> vector<8x2048xf32>
    %add3A_141 = arith.addf %add3A_136, %concatenate3A_140 : vector<8x2048xf32>
    %broadcast_in_dim3A_142 = arith.constant 0.000000e+00 : f32
    %broadcast_in_dim3A_143 = vector.broadcast %broadcast_in_dim3A_142 : f32 to vector<8x512xf32>
    %slice3A_144 = vector.extract_strided_slice %add3A_141 {offsets = [0, 0], sizes = [8, 1536], strides = [1, 1]} : vector<8x2048xf32> to vector<8x1536xf32>
    %concatenate3A_145 = tpu.concatenate %broadcast_in_dim3A_143, %slice3A_144 in 1 : vector<8x512xf32>, vector<8x1536xf32> -> vector<8x2048xf32>
    %add3A_146 = arith.addf %add3A_141, %concatenate3A_145 : vector<8x2048xf32>
    %broadcast_in_dim3A_147 = arith.constant 0.000000e+00 : f32
    %broadcast_in_dim3A_148 = vector.broadcast %broadcast_in_dim3A_147 : f32 to vector<8x1024xf32>
    %slice3A_149 = vector.extract_strided_slice %add3A_146 {offsets = [0, 0], sizes = [8, 1024], strides = [1, 1]} : vector<8x2048xf32> to vector<8x1024xf32>
    %concatenate3A_150 = tpu.concatenate %broadcast_in_dim3A_148, %slice3A_149 in 1 : vector<8x1024xf32>, vector<8x1024xf32> -> vector<8x2048xf32>
    %add3A_151 = arith.addf %add3A_146, %concatenate3A_150 : vector<8x2048xf32>
    %slice3A_152 = vector.extract_strided_slice %add3A_151 {offsets = [0, 2047], sizes = [8, 1], strides = [1, 1]} : vector<8x2048xf32> to vector<8x1xf32>
    %mul3A_153 = arith.constant 0.001953125 : f32
    %mul3A_154 = vector.broadcast %mul3A_153 : f32 to vector<8x1xf32>
    %mul3A_155 = arith.mulf %slice3A_152, %mul3A_154 : vector<8x1xf32>
    %ceil3A = math.ceil %mul3A_155 : vector<8x1xf32>
    %broadcast_in_dim3A_156 = arith.constant 0.000000e+00 : f32
    %broadcast_in_dim3A_157 = vector.broadcast %broadcast_in_dim3A_156 : f32 to vector<1x1xf32>
    %slice3A_158 = vector.extract_strided_slice %ceil3A {offsets = [0, 0], sizes = [7, 1], strides = [1, 1]} : vector<8x1xf32> to vector<7x1xf32>
    %concatenate3A_159 = tpu.concatenate %broadcast_in_dim3A_157, %slice3A_158 in 0 : vector<1x1xf32>, vector<7x1xf32> -> vector<8x1xf32>
    %add3A_160 = arith.addf %ceil3A, %concatenate3A_159 : vector<8x1xf32>
    %broadcast_in_dim3A_161 = arith.constant 0.000000e+00 : f32
    %broadcast_in_dim3A_162 = vector.broadcast %broadcast_in_dim3A_161 : f32 to vector<2x1xf32>
    %slice3A_163 = vector.extract_strided_slice %add3A_160 {offsets = [0, 0], sizes = [6, 1], strides = [1, 1]} : vector<8x1xf32> to vector<6x1xf32>
    %concatenate3A_164 = tpu.concatenate %broadcast_in_dim3A_162, %slice3A_163 in 0 : vector<2x1xf32>, vector<6x1xf32> -> vector<8x1xf32>
    %add3A_165 = arith.addf %add3A_160, %concatenate3A_164 : vector<8x1xf32>
    %broadcast_in_dim3A_166 = arith.constant 0.000000e+00 : f32
    %broadcast_in_dim3A_167 = vector.broadcast %broadcast_in_dim3A_166 : f32 to vector<4x1xf32>
    %slice3A_168 = vector.extract_strided_slice %add3A_165 {offsets = [0, 0], sizes = [4, 1], strides = [1, 1]} : vector<8x1xf32> to vector<4x1xf32>
    %concatenate3A_169 = tpu.concatenate %broadcast_in_dim3A_167, %slice3A_168 in 0 : vector<4x1xf32>, vector<4x1xf32> -> vector<8x1xf32>
    %add3A_170 = arith.addf %add3A_165, %concatenate3A_169 : vector<8x1xf32>
    %sub3A_171 = arith.subf %add3A_170, %ceil3A : vector<8x1xf32>
    %mul3A_172 = arith.constant 5.120000e+02 : f32
    %mul3A_173 = vector.broadcast %mul3A_172 : f32 to vector<8x1xf32>
    %mul3A_174 = arith.mulf %sub3A_171, %mul3A_173 : vector<8x1xf32>
    %sub3A_175 = arith.subf %add3A_151, %add3A_97 : vector<8x2048xf32>
    %add3A_176 = vector.broadcast %mul3A_174 : vector<8x1xf32> to vector<8x2048xf32>
    %add3A_177 = arith.addf %add3A_176, %sub3A_175 : vector<8x2048xf32>
    %jit3A_178 = arith.constant 0.000000e+00 : f32
    %broadcast_in_dim3A_179 = vector.broadcast %jit3A_178 : f32 to vector<8x2048xf32>
    %select_n3A_180 = arith.select %eq3A_91, %add3A_177, %broadcast_in_dim3A_179 : vector<8x2048xi1>, vector<8x2048xf32>
    %reduce_sum3A_181 = arith.constant dense<0.000000e+00> : vector<2048xf32>
    %reduce_sum3A_182 = vector.multi_reduction <add>, %select_n3A_180, %reduce_sum3A_181 [0] : vector<8x2048xf32> to vector<2048xf32>
    %broadcast_in_dim3A_183 = vector.shape_cast %reduce_sum3A_182 : vector<2048xf32> to vector<1x2048xf32>
    %jit3A_184 = arith.constant 0.000000e+00 : f32
    %broadcast_in_dim3A_185 = vector.broadcast %jit3A_184 : f32 to vector<8x2048xf32>
    %select_n3A_186 = arith.select %eq3A_93, %add3A_177, %broadcast_in_dim3A_185 : vector<8x2048xi1>, vector<8x2048xf32>
    %reduce_sum3A_187 = arith.constant dense<0.000000e+00> : vector<2048xf32>
    %reduce_sum3A_188 = vector.multi_reduction <add>, %select_n3A_186, %reduce_sum3A_187 [0] : vector<8x2048xf32> to vector<2048xf32>
    %broadcast_in_dim3A_189 = vector.shape_cast %reduce_sum3A_188 : vector<2048xf32> to vector<1x2048xf32>
    %concatenate3A_190 = tpu.concatenate %broadcast_in_dim3A_183, %broadcast_in_dim3A_189 in 0 : vector<1x2048xf32>, vector<1x2048xf32> -> vector<2x2048xf32>
    %convert_element_type3A_191 = arith.fptosi %concatenate3A_190 : vector<2x2048xf32> to vector<2x2048xi32>
    %swap3A_192 = arith.constant 0 : index
    %swap3A_193 = arith.constant 0 : index
    %swap3A_194 = vector.load %arg9[%swap3A_192, %swap3A_193] : memref<2x2048xi32, #tpu.memory_space<vmem>>, vector<2x2048xi32>
    tpu.vector_store %arg9[%swap3A_192, %swap3A_193], %convert_element_type3A_191 {strides = array<i32>} : memref<2x2048xi32, #tpu.memory_space<vmem>>, vector<2x2048xi32>,
    %reshape3A_195 = vector.shape_cast %slice3A_152 : vector<8x1xf32> to vector<1x8xf32>
    %mul3A_196 = arith.constant 4.8828125E-4 : f32
    %mul3A_197 = vector.broadcast %mul3A_196 : f32 to vector<1x8xf32>
    %mul3A_198 = arith.mulf %reshape3A_195, %mul3A_197 : vector<1x8xf32>
    %swap3A_199 = arith.constant 0 : index
    %swap3A_200 = arith.constant 0 : index
    %swap3A_201 = vector.load %arg4[%swap3A_199, %swap3A_200] : memref<1x8xf32, #tpu.memory_space<vmem>>, vector<1x8xf32>
    tpu.vector_store %arg4[%swap3A_199, %swap3A_200], %mul3A_198 {strides = array<i32>} : memref<1x8xf32, #tpu.memory_space<vmem>>, vector<1x8xf32>,
    %mul3A_202 = arith.mulf %mul3A_198, %broadcast_in_dim3A_53 : vector<1x8xf32>
    %reduce_sum3A_203 = vector.shape_cast %mul3A_202 : vector<1x8xf32> to vector<1x1x8xf32>
    %reduce_sum3A_204 = arith.constant dense<0.000000e+00> : vector<1xf32>
    %reduce_sum3A_205 = vector.multi_reduction <add>, %reduce_sum3A_203, %reduce_sum3A_204 [1, 2] : vector<1x1x8xf32> to vector<1xf32>
    %reduce_sum3A_206 = vector.shape_cast %reduce_sum3A_205 : vector<1xf32> to vector<1x1x1xf32>
    %reduce_sum3A_207 = vector.extract %reduce_sum3A_206[0, 0, 0] : f32 from vector<1x1x1xf32>
    %mul3A_208 = arith.constant -8.000000e+00 : f32
    %mul3A_209 = arith.mulf %mul3A_208, %reduce_sum3A_207 : f32
    %reshape3A_210 = vector.broadcast %mul3A_209 : f32 to vector<1x1xf32>
    %swap3A_211 = arith.constant 0 : index
    %swap3A_212 = arith.constant 0 : index
    %swap3A_213 = vector.load %arg6[%swap3A_211, %swap3A_212] : memref<1x1xf32, #tpu.memory_space<vmem>>, vector<1x1xf32>
    tpu.vector_store %arg6[%swap3A_211, %swap3A_212], %reshape3A_210 {strides = array<i32>} : memref<1x1xf32, #tpu.memory_space<vmem>>, vector<1x1xf32>,
    %reshape3A_214 = vector.shape_cast %sub3A_171 : vector<8x1xf32> to vector<1x8xf32>
    %reshape3A_215 = vector.shape_cast %ceil3A : vector<8x1xf32> to vector<1x8xf32>
    %reduce_sum3A_216 = vector.shape_cast %ceil3A : vector<8x1xf32> to vector<1x8x1xf32>
    %reduce_sum3A_217 = arith.constant dense<0.000000e+00> : vector<1xf32>
    %reduce_sum3A_218 = vector.multi_reduction <add>, %reduce_sum3A_216, %reduce_sum3A_217 [1, 2] : vector<1x8x1xf32> to vector<1xf32>
    %reduce_sum3A_219 = vector.shape_cast %reduce_sum3A_218 : vector<1xf32> to vector<1x1x1xf32>
    %reduce_sum3A_220 = vector.extract %reduce_sum3A_219[0, 0, 0] : f32 from vector<1x1x1xf32>
    %reshape3A_221 = vector.broadcast %reduce_sum3A_220 : f32 to vector<1x1xf32>
    %concatenate3A_222 = tpu.concatenate %reshape3A_214, %reshape3A_215, %reshape3A_221 in 1 : vector<1x8xf32>, vector<1x8xf32>, vector<1x1xf32> -> vector<1x17xf32>
    %convert_element_type3A_223 = arith.fptosi %concatenate3A_222 : vector<1x17xf32> to vector<1x17xi32>
    %swap3A_224 = arith.constant 0 : index
    %swap3A_225 = arith.constant 0 : index
    %swap3A_226 = vector.load %arg10[%swap3A_224, %swap3A_225] : memref<1x17xi32, #tpu.memory_space<vmem>>, vector<1x17xi32>
    tpu.vector_store %arg10[%swap3A_224, %swap3A_225], %convert_element_type3A_223 {strides = array<i32>} : memref<1x17xi32, #tpu.memory_space<vmem>>, vector<1x17xi32>,
    return
  }
}

module attributes {stable_mosaic.version = 14 : i64} {
  func.func @_ffn_body(%arg0: i32, %arg1: memref<17xi32, #tpu.memory_space<smem>>, %arg2: memref<512x768xf32, #tpu.memory_space<vmem>>, %arg3: memref<1x768x1536xf32, #tpu.memory_space<vmem>>, %arg4: memref<1x1x1536xf32, #tpu.memory_space<vmem>>, %arg5: memref<1x1536x768xf32, #tpu.memory_space<vmem>>, %arg6: memref<1x1x768xf32, #tpu.memory_space<vmem>>, %arg7: memref<512x768xf32, #tpu.memory_space<vmem>>) attributes {dimension_semantics = [#tpu.dimension_semantics<arbitrary>], iteration_bounds = array<i64: 15>, scalar_prefetch = 1 : i64, scratch_operands = 0 : i64, tpu.core_type = #tpu.core_type<tc>, window_params = [{transform_indices = @transform_0, window_bounds = array<i64: 512, 768>}, {transform_indices = @transform_1, window_bounds = array<i64: 1, 768, 1536>}, {transform_indices = @transform_2, window_bounds = array<i64: 1, 1, 1536>}, {transform_indices = @transform_3, window_bounds = array<i64: 1, 1536, 768>}, {transform_indices = @transform_4, window_bounds = array<i64: 1, 1, 768>}, {transform_indices = @transform_5, window_bounds = array<i64: 512, 768>}]} {
    %get3A = arith.constant 16 : index
    %get3A_0 = memref.load %arg1[%get3A] : memref<17xi32, #tpu.memory_space<smem>>
    %lt3A = arith.cmpi slt, %arg0, %get3A_0 : i32
    %convert_element_type3A = arith.extui %lt3A : i1 to i32
    %cond3A = arith.constant 0 : i32
    %cond3A_1 = arith.cmpi ne, %convert_element_type3A, %cond3A : i32
    scf.if %cond3A_1 {
      %get3A_2 = arith.constant 0 : index
      %get3A_3 = arith.constant 0 : index
      %get3A_4 = vector.load %arg2[%get3A_2, %get3A_3] : memref<512x768xf32, #tpu.memory_space<vmem>>, vector<512x768xf32>
      %get3A_5 = arith.constant 0 : index
      %get3A_6 = arith.constant 0 : index
      %get3A_7 = arith.constant 0 : index
      %get3A_8 = vector.load %arg3[%get3A_5, %get3A_6, %get3A_7] : memref<1x768x1536xf32, #tpu.memory_space<vmem>>, vector<1x768x1536xf32>
      %get3A_9 = vector.shape_cast %get3A_8 : vector<1x768x1536xf32> to vector<768x1536xf32>
      %dot_general3A = arith.constant dense<0.000000e+00> : vector<512x1536xf32>
      %dot_general3A_10 = tpu.matmul %get3A_4, %get3A_9, %dot_general3A {dimension_numbers = #tpu.dot_dimension_numbers<[1], [0], [0], [1], [0, 0, 1, 1], [], []>, transpose_lhs_hint = false} : vector<512x768xf32>, vector<768x1536xf32>, vector<512x1536xf32> -> vector<512x1536xf32>
      %get3A_11 = arith.constant 0 : index
      %get3A_12 = arith.constant 0 : index
      %get3A_13 = arith.constant 0 : index
      %get3A_14 = vector.load %arg4[%get3A_11, %get3A_12, %get3A_13] : memref<1x1x1536xf32, #tpu.memory_space<vmem>>, vector<1x1x1536xf32>
      %get3A_15 = vector.shape_cast %get3A_14 : vector<1x1x1536xf32> to vector<1x1536xf32>
      %add3A = vector.broadcast %get3A_15 : vector<1x1536xf32> to vector<512x1536xf32>
      %add3A_16 = arith.addf %dot_general3A_10, %add3A : vector<512x1536xf32>
      %mul3A = arith.constant 5.000000e-01 : f32
      %mul3A_17 = vector.broadcast %mul3A : f32 to vector<512x1536xf32>
      %mul3A_18 = arith.mulf %add3A_16, %mul3A_17 : vector<512x1536xf32>
      %mul3A_19 = arith.constant 0.707106769 : f32
      %mul3A_20 = vector.broadcast %mul3A_19 : f32 to vector<512x1536xf32>
      %mul3A_21 = arith.mulf %add3A_16, %mul3A_20 : vector<512x1536xf32>
      %erf3A = math.erf %mul3A_21 : vector<512x1536xf32>
      %add3A_22 = arith.constant 1.000000e+00 : f32
      %add3A_23 = vector.broadcast %add3A_22 : f32 to vector<512x1536xf32>
      %add3A_24 = arith.addf %add3A_23, %erf3A : vector<512x1536xf32>
      %mul3A_25 = arith.mulf %mul3A_18, %add3A_24 : vector<512x1536xf32>
      %get3A_26 = arith.constant 0 : index
      %get3A_27 = arith.constant 0 : index
      %get3A_28 = arith.constant 0 : index
      %get3A_29 = vector.load %arg5[%get3A_26, %get3A_27, %get3A_28] : memref<1x1536x768xf32, #tpu.memory_space<vmem>>, vector<1x1536x768xf32>
      %get3A_30 = vector.shape_cast %get3A_29 : vector<1x1536x768xf32> to vector<1536x768xf32>
      %dot_general3A_31 = arith.constant dense<0.000000e+00> : vector<512x768xf32>
      %dot_general3A_32 = tpu.matmul %mul3A_25, %get3A_30, %dot_general3A_31 {dimension_numbers = #tpu.dot_dimension_numbers<[1], [0], [0], [1], [0, 0, 1, 1], [], []>, transpose_lhs_hint = false} : vector<512x1536xf32>, vector<1536x768xf32>, vector<512x768xf32> -> vector<512x768xf32>
      %get3A_33 = arith.constant 0 : index
      %get3A_34 = arith.constant 0 : index
      %get3A_35 = arith.constant 0 : index
      %get3A_36 = vector.load %arg6[%get3A_33, %get3A_34, %get3A_35] : memref<1x1x768xf32, #tpu.memory_space<vmem>>, vector<1x1x768xf32>
      %get3A_37 = vector.shape_cast %get3A_36 : vector<1x1x768xf32> to vector<1x768xf32>
      %add3A_38 = vector.broadcast %get3A_37 : vector<1x768xf32> to vector<512x768xf32>
      %add3A_39 = arith.addf %dot_general3A_32, %add3A_38 : vector<512x768xf32>
      %swap3A = arith.constant 0 : index
      %swap3A_40 = arith.constant 0 : index
      %swap3A_41 = vector.load %arg7[%swap3A, %swap3A_40] : memref<512x768xf32, #tpu.memory_space<vmem>>, vector<512x768xf32>
      tpu.vector_store %arg7[%swap3A, %swap3A_40], %add3A_39 {strides = array<i32>} : memref<512x768xf32, #tpu.memory_space<vmem>>, vector<512x768xf32>,
    } else {
    }
    return
  }
  func.func @transform_0(%arg0: i32, %arg1: memref<17xi32, #tpu.memory_space<smem>>) -> (i32, i32) {
    %c0_i32 = arith.constant 0 : i32
    %c0_i32_0 = arith.constant 0 : i32
    return %arg0, %c0_i32 : i32, i32
  }
  func.func @transform_1(%arg0: i32, %arg1: memref<17xi32, #tpu.memory_space<smem>>) -> (i32, i32, i32) {
    %get3A = arith.constant 0 : index
    %get3A_0 = memref.load %arg1[%get3A] : memref<17xi32, #tpu.memory_space<smem>>
    %get3A_1 = arith.constant 8 : index
    %get3A_2 = memref.load %arg1[%get3A_1] : memref<17xi32, #tpu.memory_space<smem>>
    %add3A = arith.addi %get3A_0, %get3A_2 : i32
    %ge3A = arith.cmpi sge, %arg0, %add3A : i32
    %convert_element_type3A = arith.extui %ge3A : i1 to i32
    %add3A_3 = arith.constant 0 : i32
    %add3A_4 = arith.addi %add3A_3, %convert_element_type3A : i32
    %get3A_5 = arith.constant 1 : index
    %get3A_6 = memref.load %arg1[%get3A_5] : memref<17xi32, #tpu.memory_space<smem>>
    %get3A_7 = arith.constant 9 : index
    %get3A_8 = memref.load %arg1[%get3A_7] : memref<17xi32, #tpu.memory_space<smem>>
    %add3A_9 = arith.addi %get3A_6, %get3A_8 : i32
    %ge3A_10 = arith.cmpi sge, %arg0, %add3A_9 : i32
    %convert_element_type3A_11 = arith.extui %ge3A_10 : i1 to i32
    %add3A_12 = arith.addi %add3A_4, %convert_element_type3A_11 : i32
    %get3A_13 = arith.constant 2 : index
    %get3A_14 = memref.load %arg1[%get3A_13] : memref<17xi32, #tpu.memory_space<smem>>
    %get3A_15 = arith.constant 10 : index
    %get3A_16 = memref.load %arg1[%get3A_15] : memref<17xi32, #tpu.memory_space<smem>>
    %add3A_17 = arith.addi %get3A_14, %get3A_16 : i32
    %ge3A_18 = arith.cmpi sge, %arg0, %add3A_17 : i32
    %convert_element_type3A_19 = arith.extui %ge3A_18 : i1 to i32
    %add3A_20 = arith.addi %add3A_12, %convert_element_type3A_19 : i32
    %get3A_21 = arith.constant 3 : index
    %get3A_22 = memref.load %arg1[%get3A_21] : memref<17xi32, #tpu.memory_space<smem>>
    %get3A_23 = arith.constant 11 : index
    %get3A_24 = memref.load %arg1[%get3A_23] : memref<17xi32, #tpu.memory_space<smem>>
    %add3A_25 = arith.addi %get3A_22, %get3A_24 : i32
    %ge3A_26 = arith.cmpi sge, %arg0, %add3A_25 : i32
    %convert_element_type3A_27 = arith.extui %ge3A_26 : i1 to i32
    %add3A_28 = arith.addi %add3A_20, %convert_element_type3A_27 : i32
    %get3A_29 = arith.constant 4 : index
    %get3A_30 = memref.load %arg1[%get3A_29] : memref<17xi32, #tpu.memory_space<smem>>
    %get3A_31 = arith.constant 12 : index
    %get3A_32 = memref.load %arg1[%get3A_31] : memref<17xi32, #tpu.memory_space<smem>>
    %add3A_33 = arith.addi %get3A_30, %get3A_32 : i32
    %ge3A_34 = arith.cmpi sge, %arg0, %add3A_33 : i32
    %convert_element_type3A_35 = arith.extui %ge3A_34 : i1 to i32
    %add3A_36 = arith.addi %add3A_28, %convert_element_type3A_35 : i32
    %get3A_37 = arith.constant 5 : index
    %get3A_38 = memref.load %arg1[%get3A_37] : memref<17xi32, #tpu.memory_space<smem>>
    %get3A_39 = arith.constant 13 : index
    %get3A_40 = memref.load %arg1[%get3A_39] : memref<17xi32, #tpu.memory_space<smem>>
    %add3A_41 = arith.addi %get3A_38, %get3A_40 : i32
    %ge3A_42 = arith.cmpi sge, %arg0, %add3A_41 : i32
    %convert_element_type3A_43 = arith.extui %ge3A_42 : i1 to i32
    %add3A_44 = arith.addi %add3A_36, %convert_element_type3A_43 : i32
    %get3A_45 = arith.constant 6 : index
    %get3A_46 = memref.load %arg1[%get3A_45] : memref<17xi32, #tpu.memory_space<smem>>
    %get3A_47 = arith.constant 14 : index
    %get3A_48 = memref.load %arg1[%get3A_47] : memref<17xi32, #tpu.memory_space<smem>>
    %add3A_49 = arith.addi %get3A_46, %get3A_48 : i32
    %ge3A_50 = arith.cmpi sge, %arg0, %add3A_49 : i32
    %convert_element_type3A_51 = arith.extui %ge3A_50 : i1 to i32
    %add3A_52 = arith.addi %add3A_44, %convert_element_type3A_51 : i32
    %get3A_53 = arith.constant 7 : index
    %get3A_54 = memref.load %arg1[%get3A_53] : memref<17xi32, #tpu.memory_space<smem>>
    %get3A_55 = arith.constant 15 : index
    %get3A_56 = memref.load %arg1[%get3A_55] : memref<17xi32, #tpu.memory_space<smem>>
    %add3A_57 = arith.addi %get3A_54, %get3A_56 : i32
    %ge3A_58 = arith.cmpi sge, %arg0, %add3A_57 : i32
    %convert_element_type3A_59 = arith.extui %ge3A_58 : i1 to i32
    %add3A_60 = arith.addi %add3A_52, %convert_element_type3A_59 : i32
    %min3A = arith.constant 7 : i32
    %min3A_61 = arith.minsi %add3A_60, %min3A : i32
    %c0_i32 = arith.constant 0 : i32
    %c0_i32_62 = arith.constant 0 : i32
    %c0_i32_63 = arith.constant 0 : i32
    return %min3A_61, %c0_i32, %c0_i32_62 : i32, i32, i32
  }
  func.func @transform_2(%arg0: i32, %arg1: memref<17xi32, #tpu.memory_space<smem>>) -> (i32, i32, i32) {
    %get3A = arith.constant 0 : index
    %get3A_0 = memref.load %arg1[%get3A] : memref<17xi32, #tpu.memory_space<smem>>
    %get3A_1 = arith.constant 8 : index
    %get3A_2 = memref.load %arg1[%get3A_1] : memref<17xi32, #tpu.memory_space<smem>>
    %add3A = arith.addi %get3A_0, %get3A_2 : i32
    %ge3A = arith.cmpi sge, %arg0, %add3A : i32
    %convert_element_type3A = arith.extui %ge3A : i1 to i32
    %add3A_3 = arith.constant 0 : i32
    %add3A_4 = arith.addi %add3A_3, %convert_element_type3A : i32
    %get3A_5 = arith.constant 1 : index
    %get3A_6 = memref.load %arg1[%get3A_5] : memref<17xi32, #tpu.memory_space<smem>>
    %get3A_7 = arith.constant 9 : index
    %get3A_8 = memref.load %arg1[%get3A_7] : memref<17xi32, #tpu.memory_space<smem>>
    %add3A_9 = arith.addi %get3A_6, %get3A_8 : i32
    %ge3A_10 = arith.cmpi sge, %arg0, %add3A_9 : i32
    %convert_element_type3A_11 = arith.extui %ge3A_10 : i1 to i32
    %add3A_12 = arith.addi %add3A_4, %convert_element_type3A_11 : i32
    %get3A_13 = arith.constant 2 : index
    %get3A_14 = memref.load %arg1[%get3A_13] : memref<17xi32, #tpu.memory_space<smem>>
    %get3A_15 = arith.constant 10 : index
    %get3A_16 = memref.load %arg1[%get3A_15] : memref<17xi32, #tpu.memory_space<smem>>
    %add3A_17 = arith.addi %get3A_14, %get3A_16 : i32
    %ge3A_18 = arith.cmpi sge, %arg0, %add3A_17 : i32
    %convert_element_type3A_19 = arith.extui %ge3A_18 : i1 to i32
    %add3A_20 = arith.addi %add3A_12, %convert_element_type3A_19 : i32
    %get3A_21 = arith.constant 3 : index
    %get3A_22 = memref.load %arg1[%get3A_21] : memref<17xi32, #tpu.memory_space<smem>>
    %get3A_23 = arith.constant 11 : index
    %get3A_24 = memref.load %arg1[%get3A_23] : memref<17xi32, #tpu.memory_space<smem>>
    %add3A_25 = arith.addi %get3A_22, %get3A_24 : i32
    %ge3A_26 = arith.cmpi sge, %arg0, %add3A_25 : i32
    %convert_element_type3A_27 = arith.extui %ge3A_26 : i1 to i32
    %add3A_28 = arith.addi %add3A_20, %convert_element_type3A_27 : i32
    %get3A_29 = arith.constant 4 : index
    %get3A_30 = memref.load %arg1[%get3A_29] : memref<17xi32, #tpu.memory_space<smem>>
    %get3A_31 = arith.constant 12 : index
    %get3A_32 = memref.load %arg1[%get3A_31] : memref<17xi32, #tpu.memory_space<smem>>
    %add3A_33 = arith.addi %get3A_30, %get3A_32 : i32
    %ge3A_34 = arith.cmpi sge, %arg0, %add3A_33 : i32
    %convert_element_type3A_35 = arith.extui %ge3A_34 : i1 to i32
    %add3A_36 = arith.addi %add3A_28, %convert_element_type3A_35 : i32
    %get3A_37 = arith.constant 5 : index
    %get3A_38 = memref.load %arg1[%get3A_37] : memref<17xi32, #tpu.memory_space<smem>>
    %get3A_39 = arith.constant 13 : index
    %get3A_40 = memref.load %arg1[%get3A_39] : memref<17xi32, #tpu.memory_space<smem>>
    %add3A_41 = arith.addi %get3A_38, %get3A_40 : i32
    %ge3A_42 = arith.cmpi sge, %arg0, %add3A_41 : i32
    %convert_element_type3A_43 = arith.extui %ge3A_42 : i1 to i32
    %add3A_44 = arith.addi %add3A_36, %convert_element_type3A_43 : i32
    %get3A_45 = arith.constant 6 : index
    %get3A_46 = memref.load %arg1[%get3A_45] : memref<17xi32, #tpu.memory_space<smem>>
    %get3A_47 = arith.constant 14 : index
    %get3A_48 = memref.load %arg1[%get3A_47] : memref<17xi32, #tpu.memory_space<smem>>
    %add3A_49 = arith.addi %get3A_46, %get3A_48 : i32
    %ge3A_50 = arith.cmpi sge, %arg0, %add3A_49 : i32
    %convert_element_type3A_51 = arith.extui %ge3A_50 : i1 to i32
    %add3A_52 = arith.addi %add3A_44, %convert_element_type3A_51 : i32
    %get3A_53 = arith.constant 7 : index
    %get3A_54 = memref.load %arg1[%get3A_53] : memref<17xi32, #tpu.memory_space<smem>>
    %get3A_55 = arith.constant 15 : index
    %get3A_56 = memref.load %arg1[%get3A_55] : memref<17xi32, #tpu.memory_space<smem>>
    %add3A_57 = arith.addi %get3A_54, %get3A_56 : i32
    %ge3A_58 = arith.cmpi sge, %arg0, %add3A_57 : i32
    %convert_element_type3A_59 = arith.extui %ge3A_58 : i1 to i32
    %add3A_60 = arith.addi %add3A_52, %convert_element_type3A_59 : i32
    %min3A = arith.constant 7 : i32
    %min3A_61 = arith.minsi %add3A_60, %min3A : i32
    %c0_i32 = arith.constant 0 : i32
    %c0_i32_62 = arith.constant 0 : i32
    %c0_i32_63 = arith.constant 0 : i32
    return %min3A_61, %c0_i32, %c0_i32_62 : i32, i32, i32
  }
  func.func @transform_3(%arg0: i32, %arg1: memref<17xi32, #tpu.memory_space<smem>>) -> (i32, i32, i32) {
    %get3A = arith.constant 0 : index
    %get3A_0 = memref.load %arg1[%get3A] : memref<17xi32, #tpu.memory_space<smem>>
    %get3A_1 = arith.constant 8 : index
    %get3A_2 = memref.load %arg1[%get3A_1] : memref<17xi32, #tpu.memory_space<smem>>
    %add3A = arith.addi %get3A_0, %get3A_2 : i32
    %ge3A = arith.cmpi sge, %arg0, %add3A : i32
    %convert_element_type3A = arith.extui %ge3A : i1 to i32
    %add3A_3 = arith.constant 0 : i32
    %add3A_4 = arith.addi %add3A_3, %convert_element_type3A : i32
    %get3A_5 = arith.constant 1 : index
    %get3A_6 = memref.load %arg1[%get3A_5] : memref<17xi32, #tpu.memory_space<smem>>
    %get3A_7 = arith.constant 9 : index
    %get3A_8 = memref.load %arg1[%get3A_7] : memref<17xi32, #tpu.memory_space<smem>>
    %add3A_9 = arith.addi %get3A_6, %get3A_8 : i32
    %ge3A_10 = arith.cmpi sge, %arg0, %add3A_9 : i32
    %convert_element_type3A_11 = arith.extui %ge3A_10 : i1 to i32
    %add3A_12 = arith.addi %add3A_4, %convert_element_type3A_11 : i32
    %get3A_13 = arith.constant 2 : index
    %get3A_14 = memref.load %arg1[%get3A_13] : memref<17xi32, #tpu.memory_space<smem>>
    %get3A_15 = arith.constant 10 : index
    %get3A_16 = memref.load %arg1[%get3A_15] : memref<17xi32, #tpu.memory_space<smem>>
    %add3A_17 = arith.addi %get3A_14, %get3A_16 : i32
    %ge3A_18 = arith.cmpi sge, %arg0, %add3A_17 : i32
    %convert_element_type3A_19 = arith.extui %ge3A_18 : i1 to i32
    %add3A_20 = arith.addi %add3A_12, %convert_element_type3A_19 : i32
    %get3A_21 = arith.constant 3 : index
    %get3A_22 = memref.load %arg1[%get3A_21] : memref<17xi32, #tpu.memory_space<smem>>
    %get3A_23 = arith.constant 11 : index
    %get3A_24 = memref.load %arg1[%get3A_23] : memref<17xi32, #tpu.memory_space<smem>>
    %add3A_25 = arith.addi %get3A_22, %get3A_24 : i32
    %ge3A_26 = arith.cmpi sge, %arg0, %add3A_25 : i32
    %convert_element_type3A_27 = arith.extui %ge3A_26 : i1 to i32
    %add3A_28 = arith.addi %add3A_20, %convert_element_type3A_27 : i32
    %get3A_29 = arith.constant 4 : index
    %get3A_30 = memref.load %arg1[%get3A_29] : memref<17xi32, #tpu.memory_space<smem>>
    %get3A_31 = arith.constant 12 : index
    %get3A_32 = memref.load %arg1[%get3A_31] : memref<17xi32, #tpu.memory_space<smem>>
    %add3A_33 = arith.addi %get3A_30, %get3A_32 : i32
    %ge3A_34 = arith.cmpi sge, %arg0, %add3A_33 : i32
    %convert_element_type3A_35 = arith.extui %ge3A_34 : i1 to i32
    %add3A_36 = arith.addi %add3A_28, %convert_element_type3A_35 : i32
    %get3A_37 = arith.constant 5 : index
    %get3A_38 = memref.load %arg1[%get3A_37] : memref<17xi32, #tpu.memory_space<smem>>
    %get3A_39 = arith.constant 13 : index
    %get3A_40 = memref.load %arg1[%get3A_39] : memref<17xi32, #tpu.memory_space<smem>>
    %add3A_41 = arith.addi %get3A_38, %get3A_40 : i32
    %ge3A_42 = arith.cmpi sge, %arg0, %add3A_41 : i32
    %convert_element_type3A_43 = arith.extui %ge3A_42 : i1 to i32
    %add3A_44 = arith.addi %add3A_36, %convert_element_type3A_43 : i32
    %get3A_45 = arith.constant 6 : index
    %get3A_46 = memref.load %arg1[%get3A_45] : memref<17xi32, #tpu.memory_space<smem>>
    %get3A_47 = arith.constant 14 : index
    %get3A_48 = memref.load %arg1[%get3A_47] : memref<17xi32, #tpu.memory_space<smem>>
    %add3A_49 = arith.addi %get3A_46, %get3A_48 : i32
    %ge3A_50 = arith.cmpi sge, %arg0, %add3A_49 : i32
    %convert_element_type3A_51 = arith.extui %ge3A_50 : i1 to i32
    %add3A_52 = arith.addi %add3A_44, %convert_element_type3A_51 : i32
    %get3A_53 = arith.constant 7 : index
    %get3A_54 = memref.load %arg1[%get3A_53] : memref<17xi32, #tpu.memory_space<smem>>
    %get3A_55 = arith.constant 15 : index
    %get3A_56 = memref.load %arg1[%get3A_55] : memref<17xi32, #tpu.memory_space<smem>>
    %add3A_57 = arith.addi %get3A_54, %get3A_56 : i32
    %ge3A_58 = arith.cmpi sge, %arg0, %add3A_57 : i32
    %convert_element_type3A_59 = arith.extui %ge3A_58 : i1 to i32
    %add3A_60 = arith.addi %add3A_52, %convert_element_type3A_59 : i32
    %min3A = arith.constant 7 : i32
    %min3A_61 = arith.minsi %add3A_60, %min3A : i32
    %c0_i32 = arith.constant 0 : i32
    %c0_i32_62 = arith.constant 0 : i32
    %c0_i32_63 = arith.constant 0 : i32
    return %min3A_61, %c0_i32, %c0_i32_62 : i32, i32, i32
  }
  func.func @transform_4(%arg0: i32, %arg1: memref<17xi32, #tpu.memory_space<smem>>) -> (i32, i32, i32) {
    %get3A = arith.constant 0 : index
    %get3A_0 = memref.load %arg1[%get3A] : memref<17xi32, #tpu.memory_space<smem>>
    %get3A_1 = arith.constant 8 : index
    %get3A_2 = memref.load %arg1[%get3A_1] : memref<17xi32, #tpu.memory_space<smem>>
    %add3A = arith.addi %get3A_0, %get3A_2 : i32
    %ge3A = arith.cmpi sge, %arg0, %add3A : i32
    %convert_element_type3A = arith.extui %ge3A : i1 to i32
    %add3A_3 = arith.constant 0 : i32
    %add3A_4 = arith.addi %add3A_3, %convert_element_type3A : i32
    %get3A_5 = arith.constant 1 : index
    %get3A_6 = memref.load %arg1[%get3A_5] : memref<17xi32, #tpu.memory_space<smem>>
    %get3A_7 = arith.constant 9 : index
    %get3A_8 = memref.load %arg1[%get3A_7] : memref<17xi32, #tpu.memory_space<smem>>
    %add3A_9 = arith.addi %get3A_6, %get3A_8 : i32
    %ge3A_10 = arith.cmpi sge, %arg0, %add3A_9 : i32
    %convert_element_type3A_11 = arith.extui %ge3A_10 : i1 to i32
    %add3A_12 = arith.addi %add3A_4, %convert_element_type3A_11 : i32
    %get3A_13 = arith.constant 2 : index
    %get3A_14 = memref.load %arg1[%get3A_13] : memref<17xi32, #tpu.memory_space<smem>>
    %get3A_15 = arith.constant 10 : index
    %get3A_16 = memref.load %arg1[%get3A_15] : memref<17xi32, #tpu.memory_space<smem>>
    %add3A_17 = arith.addi %get3A_14, %get3A_16 : i32
    %ge3A_18 = arith.cmpi sge, %arg0, %add3A_17 : i32
    %convert_element_type3A_19 = arith.extui %ge3A_18 : i1 to i32
    %add3A_20 = arith.addi %add3A_12, %convert_element_type3A_19 : i32
    %get3A_21 = arith.constant 3 : index
    %get3A_22 = memref.load %arg1[%get3A_21] : memref<17xi32, #tpu.memory_space<smem>>
    %get3A_23 = arith.constant 11 : index
    %get3A_24 = memref.load %arg1[%get3A_23] : memref<17xi32, #tpu.memory_space<smem>>
    %add3A_25 = arith.addi %get3A_22, %get3A_24 : i32
    %ge3A_26 = arith.cmpi sge, %arg0, %add3A_25 : i32
    %convert_element_type3A_27 = arith.extui %ge3A_26 : i1 to i32
    %add3A_28 = arith.addi %add3A_20, %convert_element_type3A_27 : i32
    %get3A_29 = arith.constant 4 : index
    %get3A_30 = memref.load %arg1[%get3A_29] : memref<17xi32, #tpu.memory_space<smem>>
    %get3A_31 = arith.constant 12 : index
    %get3A_32 = memref.load %arg1[%get3A_31] : memref<17xi32, #tpu.memory_space<smem>>
    %add3A_33 = arith.addi %get3A_30, %get3A_32 : i32
    %ge3A_34 = arith.cmpi sge, %arg0, %add3A_33 : i32
    %convert_element_type3A_35 = arith.extui %ge3A_34 : i1 to i32
    %add3A_36 = arith.addi %add3A_28, %convert_element_type3A_35 : i32
    %get3A_37 = arith.constant 5 : index
    %get3A_38 = memref.load %arg1[%get3A_37] : memref<17xi32, #tpu.memory_space<smem>>
    %get3A_39 = arith.constant 13 : index
    %get3A_40 = memref.load %arg1[%get3A_39] : memref<17xi32, #tpu.memory_space<smem>>
    %add3A_41 = arith.addi %get3A_38, %get3A_40 : i32
    %ge3A_42 = arith.cmpi sge, %arg0, %add3A_41 : i32
    %convert_element_type3A_43 = arith.extui %ge3A_42 : i1 to i32
    %add3A_44 = arith.addi %add3A_36, %convert_element_type3A_43 : i32
    %get3A_45 = arith.constant 6 : index
    %get3A_46 = memref.load %arg1[%get3A_45] : memref<17xi32, #tpu.memory_space<smem>>
    %get3A_47 = arith.constant 14 : index
    %get3A_48 = memref.load %arg1[%get3A_47] : memref<17xi32, #tpu.memory_space<smem>>
    %add3A_49 = arith.addi %get3A_46, %get3A_48 : i32
    %ge3A_50 = arith.cmpi sge, %arg0, %add3A_49 : i32
    %convert_element_type3A_51 = arith.extui %ge3A_50 : i1 to i32
    %add3A_52 = arith.addi %add3A_44, %convert_element_type3A_51 : i32
    %get3A_53 = arith.constant 7 : index
    %get3A_54 = memref.load %arg1[%get3A_53] : memref<17xi32, #tpu.memory_space<smem>>
    %get3A_55 = arith.constant 15 : index
    %get3A_56 = memref.load %arg1[%get3A_55] : memref<17xi32, #tpu.memory_space<smem>>
    %add3A_57 = arith.addi %get3A_54, %get3A_56 : i32
    %ge3A_58 = arith.cmpi sge, %arg0, %add3A_57 : i32
    %convert_element_type3A_59 = arith.extui %ge3A_58 : i1 to i32
    %add3A_60 = arith.addi %add3A_52, %convert_element_type3A_59 : i32
    %min3A = arith.constant 7 : i32
    %min3A_61 = arith.minsi %add3A_60, %min3A : i32
    %c0_i32 = arith.constant 0 : i32
    %c0_i32_62 = arith.constant 0 : i32
    %c0_i32_63 = arith.constant 0 : i32
    return %min3A_61, %c0_i32, %c0_i32_62 : i32, i32, i32
  }
  func.func @transform_5(%arg0: i32, %arg1: memref<17xi32, #tpu.memory_space<smem>>) -> (i32, i32) {
    %c0_i32 = arith.constant 0 : i32
    %c0_i32_0 = arith.constant 0 : i32
    return %arg0, %c0_i32 : i32, i32
  }
}

module attributes {stable_mosaic.version = 14 : i64} {
  func.func @_finalize_body(%arg0: i32, %arg1: memref<2048x768xf32, #tpu.memory_space<vmem>>, %arg2: memref<2048x768xf32, #tpu.memory_space<vmem>>, %arg3: memref<2048x2xf32, #tpu.memory_space<vmem>>, %arg4: memref<2048x768xf32, #tpu.memory_space<vmem>>) attributes {dimension_semantics = [#tpu.dimension_semantics<arbitrary>], iteration_bounds = array<i64: 1>, scalar_prefetch = 0 : i64, scratch_operands = 0 : i64, tpu.core_type = #tpu.core_type<tc>, window_params = [{transform_indices = @transform_0, window_bounds = array<i64: 2048, 768>}, {transform_indices = @transform_1, window_bounds = array<i64: 2048, 768>}, {pipeline_mode = #tpu.pipeline_mode<synchronous>, transform_indices = @transform_2, window_bounds = array<i64: 2048, 2>}, {pipeline_mode = #tpu.pipeline_mode<synchronous>, transform_indices = @transform_3, window_bounds = array<i64: 2048, 768>}]} {
    %get3A = arith.constant 0 : index
    %get3A_0 = arith.constant 0 : index
    %get3A_1 = vector.load %arg1[%get3A, %get3A_0] : memref<2048x768xf32, #tpu.memory_space<vmem>>, vector<2048x768xf32>
    %get3A_2 = arith.constant 0 : index
    %get3A_3 = arith.constant 0 : index
    %get3A_4 = vector.load %arg3[%get3A_2, %get3A_3] : memref<2048x2xf32, #tpu.memory_space<vmem>>, vector<2048x1xf32>
    %mul3A = vector.broadcast %get3A_4 : vector<2048x1xf32> to vector<2048x768xf32>
    %mul3A_5 = arith.mulf %get3A_1, %mul3A : vector<2048x768xf32>
    %get3A_6 = arith.constant 0 : index
    %get3A_7 = arith.constant 0 : index
    %get3A_8 = vector.load %arg2[%get3A_6, %get3A_7] : memref<2048x768xf32, #tpu.memory_space<vmem>>, vector<2048x768xf32>
    %get3A_9 = arith.constant 0 : index
    %get3A_10 = arith.constant 1 : index
    %get3A_11 = vector.load %arg3[%get3A_9, %get3A_10] : memref<2048x2xf32, #tpu.memory_space<vmem>>, vector<2048x1xf32>
    %mul3A_12 = vector.broadcast %get3A_11 : vector<2048x1xf32> to vector<2048x768xf32>
    %mul3A_13 = arith.mulf %get3A_8, %mul3A_12 : vector<2048x768xf32>
    %add3A = arith.addf %mul3A_5, %mul3A_13 : vector<2048x768xf32>
    %swap3A = arith.constant 0 : index
    %swap3A_14 = arith.constant 0 : index
    %swap3A_15 = vector.load %arg4[%swap3A, %swap3A_14] : memref<2048x768xf32, #tpu.memory_space<vmem>>, vector<2048x768xf32>
    tpu.vector_store %arg4[%swap3A, %swap3A_14], %add3A {strides = array<i32>} : memref<2048x768xf32, #tpu.memory_space<vmem>>, vector<2048x768xf32>,
    return
  }
  func.func @transform_0(%arg0: i32) -> (i32, i32) {
    %c0_i32 = arith.constant 0 : i32
    %c0_i32_0 = arith.constant 0 : i32
    %c0_i32_1 = arith.constant 0 : i32
    return %c0_i32, %c0_i32_0 : i32, i32
  }
  func.func @transform_1(%arg0: i32) -> (i32, i32) {
    %c1_i32 = arith.constant 1 : i32
    %c0_i32 = arith.constant 0 : i32
    %c0_i32_0 = arith.constant 0 : i32
    return %c1_i32, %c0_i32 : i32, i32
  }
  func.func @transform_2(%arg0: i32) -> (i32, i32) {
    %c0_i32 = arith.constant 0 : i32
    %c0_i32_0 = arith.constant 0 : i32
    %c0_i32_1 = arith.constant 0 : i32
    return %c0_i32, %c0_i32_0 : i32, i32
  }
  func.func @transform_3(%arg0: i32) -> (i32, i32) {
    %c0_i32 = arith.constant 0 : i32
    %c0_i32_0 = arith.constant 0 : i32
    %c0_i32_1 = arith.constant 0 : i32
    return %c0_i32, %c0_i32_0 : i32, i32
  }
}

</mosaic_0001>

<sc_bundles>
// kernel: kernel.10.cloned.1.call-start
scs
__scs_entry_jumppad:
0x0: {  	(pc) =	sbr.rel $0x88, $3  }
0x1: {  	(tag) =	ssettag $0x0;
	lr =	simm.s32 $0x1  }
0x2: {  	[smem:$0x3F9A] =	sst lr;
	_ =	strace $0xD0000000  }
0x3: {  	_ = 	snop  }
0x4: {  	_ = 	snop  }
0x5: {  	_ = 	snop  }
0x6: {  	_ = 	snop  }
0x7: {  	_ = 	snop  }
__scs_overlays_trampoline_lowered:
0x8: {  	[smem:$0x3FA9] =	sst s0  }
0x9: {  	[smem:$0x3FAA] =	sst s1  }
0xa: {  	[smem:$0x3FAB] =	sst s2  }
0xb: {  	[smem:$0x3FAC] =	sst s3  }
0xc: {  	[smem:$0x3FAD] =	sst s4  }
0xd: {  	[smem:$0x3FAE] =	sst s5  }
0xe: {  	[smem:$0x3FAF] =	sst s6  }
0xf: {  	[smem:$0x3FB0] =	sst s7  }
0x10: {  	[smem:$0x3FB1] =	sst s8  }
0x11: {  	[smem:$0x3FB2] =	sst s9;
	s0 =	simm.s32 @!p0 $0x0  }
0x12: {  	s1 =	sld [smem:$0x3F98];
	s0 =	simm.s32 @p0 $0x1  }
0x13: {  	[smem:$0x3FB3] =	sst s0;
	s0 =	simm.s32 @!p1 $0x0  }
0x14: {  	s2 =	sld [smem:$0x3F97];
	s0 =	simm.s32 @p1 $0x1  }
0x15: {  	[smem:$0x3FB4] =	sst s0;
	s0 =	simm.s32 @!p2 $0x0  }
0x16: {  	s3 =	sld [smem:$0x3FDB];
	s0 =	simm.s32 @p2 $0x1  }
0x17: {  	s4 =	simm.s32 $0x1BF5;
	[smem:$0x3FB6] =	sst s0  }
0x18: {  	s0 =	sld [smem:$0x3F99];
	_ =	swait.ge [sflag:s4], $0x0  }
0x19: {  	s7 =	sld [smem:$0x3F9A]  }
0x1a: {  	s8 =	sadd.s32 $0xFFFFE003, lr  }
0x1b: {  	s9 =	sadd.s32 $0xFFFFFEF7, lr;
	s5 =	simm.s32 $0xFFFFFFFF;
	p2 =	slt.u32 s8, $0xFFFFF086  }
0x1c: {  	p1 =	slt.u32 s9, $0xF7A;
	s5 =	simm.s32 @!p2 $0x0  }
0x1d: {  	s5 =	simm.s32 @p1 $0x1;
	p0 =	seq.s32 s7, s2  }
0x1e: {  	s7 =	smul.u32 @!p0 $0xF7A, s2;
	p2 =	seq.s32 @!p0 s5, $0x0  }
0x1f: {  	s9 =	smul.u32 $0xF7A, s1;
	s8 =	simm.s32 @!p0 $0x1BF5;
	p2 =	por !p2, p0  }
0x20: {  	[sflag:s8] =	ssyncset.s32 @!p0 $0xFFFFF086;
	s6 =	sadd.s32 @!p0 s3, s7;
	s7 =	simm.s32 @!p0 $0x108  }
0x21: {  	s3 =	sadd.s32 s3, s9;
	s6 =	sadd.s32 @!p0 $0x88, s6;
	s7 =	simm.s32 @p2 $0x1082  }
0x22: {  	[simem:s7], [sflag:s8] =	dma.local @!p0 [hbm:s6], $0xF7A  }
0x23: {  	s9 =	sor.u32 $0xD0000000, s2;
	s6 =	simm.s32 $0x108;
	_ =	swait.ge @!p0 [sflag:s8], $0x0  }
0x24: {  	s3 =	sadd.s32 $0x88, s3;
	s6 =	simm.s32 @!p1 $0x1082;
	[sflag:s4] =	ssyncset.s32 $0xFFFFF086  }
0x25: {  	[simem:s6], [sflag:s4] =	dma.local [hbm:s3], $0xF7A  }
0x26: {  	[smem:$0x3F9A] =	sst s1;
	(tag) =	ssettag s2;
	_ =	strace s9  }
0x27: {  	s1 =	sld [smem:$0x3FAA]  }
0x28: {  	s2 =	sld [smem:$0x3FAB]  }
0x29: {  	s4 =	sld [smem:$0x3FAD]  }
0x2a: {  	p0 =	seq.s32 s5, $0x0;
	s5 =	sld [smem:$0x3FAE]  }
0x2b: {  	s6 =	sld [smem:$0x3FAF]  }
0x2c: {  	s7 =	sld [smem:$0x3FB0]  }
0x2d: {  	s3 =	simm.s32 $0x108;
	s8 =	sld [smem:$0x3FB1]  }
0x2e: {  	s3 =	simm.s32 @!p0 $0x1082;
	s9 =	sld [smem:$0x3FB2]  }
0x2f: {  	lr =	sadd.s32 s0, s3;
	s0 =	sld [smem:$0x3FA9]  }
0x30: {  	s3 =	sld [smem:$0x3FAC]  }
0x31: {  	[smem:$0x3FB5] =	sst s10  }
0x32: {  	s10 =	sld [smem:$0x3FB3];
	_ =	sdelay $0x3  }
0x33: {  	p0 =	seq.s32 s10, $0x1;
	s10 =	sld [smem:$0x3FB5];
	_ =	sdelay $0x3  }
0x34: {  	[smem:$0x3FB5] =	sst s10  }
0x35: {  	s10 =	sld [smem:$0x3FB4];
	_ =	sdelay $0x3  }
0x36: {  	p1 =	seq.s32 s10, $0x1;
	s10 =	sld [smem:$0x3FB5];
	_ =	sdelay $0x3  }
0x37: {  	[smem:$0x3FB5] =	sst s10  }
0x38: {  	s10 =	sld [smem:$0x3FB6]  }
0x39: {  	_ = 	snop;
	(pc) =	sbr.ind lr, $3  }
0x3a: {  	_ = 	snop  }
0x3b: {  	_ = 	snop  }
0x3c: {  	p2 =	seq.s32 s10, $0x1;
	s10 =	sld [smem:$0x3FB5]  }
0x3d: {  	_ =	shalt  }
0x3e: {  	_ =	shalt  }
0x3f: {  	_ =	shalt  }
0x40: {  	_ =	shalt  }
0x41: {  	_ =	shalt  }
0x42: {  	_ =	shalt  }
0x43: {  	_ =	shalt  }
0x44: {  	_ =	shalt  }
0x45: {  	_ =	shalt  }
0x46: {  	_ =	shalt  }
0x47: {  	_ =	shalt  }
0x48: {  	_ =	shalt  }
0x49: {  	_ =	shalt  }
0x4a: {  	_ =	shalt  }
0x4b: {  	_ =	shalt  }
0x4c: {  	_ =	shalt  }
0x4d: {  	_ =	shalt  }
0x4e: {  	_ =	shalt  }
0x4f: {  	_ =	shalt  }
0x50: {  	_ =	shalt  }
0x51: {  	_ =	shalt  }
0x52: {  	_ =	shalt  }
0x53: {  	_ =	shalt  }
0x54: {  	_ =	shalt  }
0x55: {  	_ =	shalt  }
0x56: {  	_ =	shalt  }
0x57: {  	_ =	shalt  }
0x58: {  	_ =	shalt  }
0x59: {  	_ =	shalt  }
0x5a: {  	_ =	shalt  }
0x5b: {  	_ =	shalt  }
0x5c: {  	_ =	shalt  }
0x5d: {  	_ =	shalt  }
0x5e: {  	_ =	shalt  }
0x5f: {  	_ =	shalt  }
0x60: {  	_ =	shalt  }
0x61: {  	_ =	shalt  }
0x62: {  	_ =	shalt  }
0x63: {  	_ =	shalt  }
0x64: {  	_ =	shalt  }
0x65: {  	_ =	shalt  }
0x66: {  	_ =	shalt  }
0x67: {  	_ =	shalt  }
0x68: {  	_ =	shalt  }
0x69: {  	_ =	shalt  }
0x6a: {  	_ =	shalt  }
0x6b: {  	_ =	shalt  }
0x6c: {  	_ =	shalt  }
0x6d: {  	_ =	shalt  }
0x6e: {  	_ =	shalt  }
0x6f: {  	_ =	shalt  }
0x70: {  	_ =	shalt  }
0x71: {  	_ =	shalt  }
0x72: {  	_ =	shalt  }
0x73: {  	_ =	shalt  }
0x74: {  	_ =	shalt  }
0x75: {  	_ =	shalt  }
0x76: {  	_ =	shalt  }
0x77: {  	_ =	shalt  }
0x78: {  	_ =	shalt  }
0x79: {  	_ =	shalt  }
0x7a: {  	_ =	shalt  }
0x7b: {  	_ =	shalt  }
0x7c: {  	_ =	shalt  }
0x7d: {  	_ =	shalt  }
0x7e: {  	_ =	shalt  }
0x7f: {  	_ =	shalt  }
0x80: {  	_ =	shalt  }
0x81: {  	_ =	shalt  }
0x82: {  	_ =	shalt  }
0x83: {  	_ =	shalt  }
0x84: {  	_ =	shalt  }
0x85: {  	_ =	shalt  }
0x86: {  	_ =	shalt  }
0x87: {  	_ =	shalt  }
.Lfunc_end0:
.L_simem_size_0:
called_computation.1_lowered:
.L_overlay_start_0:
0x88: {  	s2 =	sld [smem:$0x3FD9]  }
0x89: {  	s3 =	sld [smem:$0x3FFE];
	_ =	sdelay $0x1  }
0x8a: {  	s1 =	srdreg.scid  }
0x8b: {  	s0 =	sand.u32 $0x1, s1  }
0x8c: {  	s14 =	sshll.u32 s0, $0xA;
	s2 =	sadd.s32 s3, s2  }
0x8d: {  	s2 =	sadd.s32 s2, s14  }
0x8e: {  	[smem:$0x3FC1] =	sst s2  }
0x8f: {  	_ = 	snop  }
0x90: {  	s2 =	sld [smem:$0x3FD0];
	_ =	sdelay $0x2  }
0x91: {  	s15 =	simm.s32 $0xA;
	s4 =	simm.s32 $0x10  }
0x92: {  	[smem:s4], [sflag:s15] =	dma.local [hbm:s2], $0x1  }
0x93: {  	_ =	swait.eq [sflag:s15], $0x1  }
0x94: {  	[sflag:s15] =	ssyncset.done $0x0  }
0x95: {  	[sflag:s15] =	ssyncadd.s32 $0xFFFFFFFF  }
0x96: {  	s16 =	sld [smem:$0x10];
	(tm) =	ssettm $0x1  }
0x97: {  	s17 =	sld [smem:$0x3FFB];
	_ =	sdelay $0x3  }
0x98: {  	_ =	strace s17  }
0x99: {  	s3 =	sld [smem:$0x3FFC];
	_ =	sdelay $0x3  }
0x9a: {  	_ =	strace s3  }
0x9b: {  	s3 =	sld [smem:$0x3FFD];
	_ =	sdelay $0x3  }
0x9c: {  	_ =	strace s3  }
0x9d: {  	_ =	strace $0x8FFFFFFF  }
0x9e: {  	s18 =	sld [smem:$0x3FDB];
	_ =	sdelay $0x1  }
0x9f: {  	s19 =	simm.s32 $_scs_section_size  }
0xa0: {  	s5 =	simm.s32 $_size__tile_overlayer_lowered;
	s6 =	simm.s32 $_tile_overlayer_lowered  }
0xa1: {  	s22 =	simm.s32 $0x1BFF;
	s21 =	sshll.u32 s6, $0x1;
	s3 =	sadd.s32 s19, s18  }
0xa2: {  	s7 =	simm.s32 $0x0;
	s20 =	sshll.u32 s5, $0x1;
	s5 =	sadd.s32 s21, s3  }
0xa3: {  	[timem:s7], [sflag:s22] =	dma.local [hbm:s5], s20  }
0xa4: {  	_ =	swait.ge [sflag:s22], s20  }
0xa5: {  	s4 =	ssub.s32 $0x0, s20;
	[sflag:s22] =	ssyncset.done $0x0  }
0xa6: {  	[sflag:s22] =	ssyncadd.s32 s4;
	_ =	sdelay $0x1  }
0xa7: {  	s23 =	simm.s32 $0x1B8B  }
0xa8: {  	_ =	swait.ge [sflag:s23], $0x1  }
0xa9: {  	[sflag:s23] =	ssyncset.done $0x0  }
0xaa: {  	s25 =	simm.s32 $0x1B8E;
	s24 =	sld [smem:$0x3FFE];
	[sflag:s23] =	ssyncadd.s32 $0xFFFFFFFF  }
0xab: {  	s26 =	simm.s32 $execute0_lowered;
	[smem:$0x3FD2] =	sst s25  }
0xac: {  	s5 =	sshll.u32 s26, $0x1;
	_ =	strace $0x80000049;
	[dreg:$0x1] =	wrdreg $0xFFFFFFFF  }
0xad: {  	s28 =	simm.s32 $_size_execute0_lowered;
	s3 =	sadd.s32 s3, s5;
	[dreg:$0x0] =	wrdreg $0x0  }
0xae: {  	s5 =	sshll.u32 s28, $0x1;
	[dreg:$0x2] =	wrdreg s3  }
0xaf: {  	[dreg:$0x3] =	wrdreg s5  }
0xb0: {  	[dreg:$0x4] =	wrdreg $0xC0  }
0xb1: {  	_ =	task [dreg:s7], $0x5FFFF  }
0xb2: {  	[dreg:$0x1] =	wrdreg $0xFFFFFFFF  }
0xb3: {  	[dreg:$0x0] =	wrdreg $0x60  }
0xb4: {  	[dreg:$0x2] =	wrdreg s16  }
0xb5: {  	[dreg:$0x3] =	wrdreg s24  }
0xb6: {  	[dreg:$0x4] =	wrdreg $0x9  }
0xb7: {  	_ =	task.clear_ibuf [dreg:s7], $0x5FFFF;
	_ =	strace $0x90000049  }
0xb8: {  	s29 =	simm.s32 $0x9;
	_ =	strace $0x8000004B  }
0xb9: {  	_ =	swait.ge [sflag:s29], $0x1  }
0xba: {  	[sflag:s29] =	ssyncadd.s32 $0xFFFFFFFF  }
0xbb: {  	_ =	strace $0x9000004B  }
0xbc: {  	_ =	sfence  }
0xbd: {  	s30 =	sld [smem:$0x0];
	_ =	sdelay $0x2  }
0xbe: {  	s31 =	sshll.u32 s1, $0xD;
	s1 =	sshrl.u32 s1, $0x2  }
0xbf: {  	s3 =	sand.u32 $0x4000, s31;
	s1 =	sadd.s32 s1, s30  }
0xc0: {  	s0 =	sor.u32 s3, s0;
	s1 =	sshll.u32 s1, $0x11  }
0xc1: {  	s0 =	sor.u32 s1, s0  }
0xc2: {  	s0 =	sadd.s32 $0x8F2B, s0  }
0xc3: {  	[sflag:s0] =	ssyncadd.remote.s32 $0x1  }
0xc4: {  	_ =	sfence.sel $0xFFFF  }
0xc5: {  	[dreg:$0x0] =	wrdreg $0xFFFFFFFF;
	(pc) =	sbr.abs _section_cstart, $3  }
0xc6: {  	[dreg:$0x1] =	wrdreg $0xFFFFFFFF  }
0xc7: {  	_ =	task.clear_ibuf [dreg:s7], $0x2FFFF;
	_ =	strace $0x9FFFFFFF  }
0xc8: {  	(tm) =	ssettm $0x7FFFFFFF  }
0xc9: {  	_ =	shalt  }
tec
execute0_lowered:
.L_overlay_start_1:
0x0: {  	(tag) =	ssettag $0x1  }
0x1: {  	s1 =	srdreg.scid;
	s3 =	rddreg [dreg:$0x0]  }
0x2: {  	s2 =	simm.s32 $0x0;
	s4 =	sand.u32 $0x1, s1;
	s1 =	rddreg [dreg:$0x1]  }
0x3: {  	s23 =	simm.s32 $0x880;
	[smem:$0x7FF] =	sst s2  }
0x4: {  	s24 =	simm.s32 $0x1080;
	_ =	strace $0x8000004A;
	[dreg:$0x6] =	wrdreg s23  }
0x5: {  	s25 =	simm.s32 $0x1880;
	[dreg:$0x7] =	wrdreg s24  }
0x6: {  	s0 =	stileid.u32;
	s26 =	simm.s32 $0x2080;
	[dreg:$0x8] =	wrdreg s25  }
0x7: {  	s5 =	sshll.u32 s0, $0x5;
	s0 =	simm.s32 $0x2880;
	[dreg:$0x9] =	wrdreg s26  }
0x8: {  	s9 =	simm.s32 $0x5080;
	[dreg:$0xa] =	wrdreg s0  }
0x9: {  	s10 =	simm.s32 $0x5880;
	[dreg:$0xf] =	wrdreg s9  }
0xa: {  	s11 =	simm.s32 $0x6080;
	[dreg:$0x10] =	wrdreg s10  }
0xb: {  	s12 =	simm.s32 $0x6880;
	s13 =	simm.s32 $0x7080;
	[dreg:$0x11] =	wrdreg s11  }
0xc: {  	s14 =	simm.s32 $0x7880;
	s15 =	simm.s32 $0x8080;
	[dreg:$0x12] =	wrdreg s12  }
0xd: {  	s16 =	simm.s32 $0x8880;
	s17 =	simm.s32 $0x9080;
	[dreg:$0x13] =	wrdreg s13  }
0xe: {  	s18 =	simm.s32 $0x9880;
	s28 =	simm.s32 $0x16880;
	[dreg:$0x14] =	wrdreg s14  }
0xf: {  	s29 =	simm.s32 $0x17080;
	s30 =	simm.s32 $0x17880;
	[dreg:$0x15] =	wrdreg s15  }
0x10: {  	s31 =	simm.s32 $0x1;
	s6 =	sshll.u32 s4, $0x4;
	[dreg:$0x16] =	wrdreg s16  }
0x11: {  	s8 =	sadd.s32 $0x1600, s1;
	s4 =	ssub.s32 $0x2, s4;
	[dreg:$0x17] =	wrdreg s17  }
0x12: {  	[dreg:$0x18] =	wrdreg s18;
	s23 =	simm.s32 $0xB880;
	s24 =	simm.s32 $0xC880  }
0x13: {  	s25 =	simm.s32 $0xD080;
	s26 =	simm.s32 $0xD880;
	s9 =	simm.s32 $0xC080  }
0x14: {  	s11 =	simm.s32 $0xE880;
	s12 =	simm.s32 $0xF080;
	s13 =	simm.s32 $0xF880  }
0x15: {  	s14 =	simm.s32 $0x10080;
	s15 =	simm.s32 $0x10880;
	[dreg:$0x1c] =	wrdreg s23  }
0x16: {  	s16 =	simm.s32 $0x11080;
	s17 =	simm.s32 $0x11880;
	[dreg:$0x1d] =	wrdreg s24  }
0x17: {  	s18 =	simm.s32 $0x12080;
	s5 =	sor.u32 s6, s5;
	[dreg:$0x1e] =	wrdreg s25  }
0x18: {  	s19 =	sshrl.u32 s4, $0x1;
	[dreg:$0x1f] =	wrdreg s26;
	s23 =	simm.s32 $0x14880  }
0x19: {  	s24 =	simm.s32 $0x15080;
	s25 =	simm.s32 $0x15880;
	s7 =	smul.u32 $0x300, s5  }
0x1a: {  	s26 =	simm.s32 $0x16080;
	s6 =	smul.u32 $0x1800, s5;
	s3 =	sadd.s32 s3, s5  }
0x1b: {  	[dreg:$0x3] =	wrdreg s3;
	s3 =	sadd.s32 $0xB5A00, s1;
	s21 =	sadd.s32 s8, s7  }
0x1c: {  	s20 =	sshrl.u32 s6, $0x3;
	s6 =	simm.s32 $0x3880;
	[dreg:$0x4] =	wrdreg s21  }
0x1d: {  	s7 =	simm.s32 $0x4080;
	s5 =	sadd.s32 s8, s20;
	[dreg:$0xc] =	wrdreg s6  }
0x1e: {  	[dreg:$0xd] =	wrdreg s7;
	s8 =	simm.s32 $0x4880;
	s20 =	simm.s32 $0xA080  }
0x1f: {  	s6 =	ssub.s32 s4, s19;
	s21 =	simm.s32 $0xA880;
	s4 =	sadd.s32 $0xB5B00, s1  }
0x20: {  	s7 =	simm.s32 $0x3;
	s19 =	simm.s32 $0x12880;
	[dreg:$0xe] =	wrdreg s8  }
0x21: {  	s22 =	sadd.s32 $0x1800, s5;
	s5 =	simm.s32 $0x3080;
	[dreg:$0x19] =	wrdreg s20  }
0x22: {  	[dreg:$0x1a] =	wrdreg s21;
	s6 =	smax.u32 s6, $0x1;
	s8 =	simm.s32 $0x80  }
0x23: {  	v2 =	vlaneseq.u32;
	s20 =	simm.s32 $0x13080;
	s21 =	simm.s32 $0x13880;
	[dreg:$0x5] =	wrdreg s22  }
0x24: {  	vm0 =	vmmov $0xffff;
	v1 =	vshrl.u32 v2, $0x3;
	[dreg:$0xb] =	wrdreg s5;
	s22 =	simm.s32 $0xB080;
	s5 =	sadd.s32 $0xB5C00, s1  }
0x25: {  	v0 =	vand.u32 $0x7, v2;
	v2 =	vor.u32 $0x8, v2;
	v1 =	vmul.u32 $0x8, v1;
	s1 =	simm.s32 $0x2;
	[dreg:$0x1b] =	wrdreg s22;
	s22 =	simm.s32 $0x14080  }
.LBB2_1:
0x26: {  	s0 =	rddreg [dreg:$0x3]  }
0x27: {  	[tilespmem:s2], [sflag:$0x3] =	stream.linear.gather [hbm4b:s0+s2], $0x80, $0x38;
	[tilespmem:$0x18080] =	vst v63  }
0x28: {  	_ =	swait.ge [sflag:s7], $0x80  }
0x29: {  	[sflag:s7] =	ssyncset.done $0x0  }
0x2a: {  	[sflag:s7] =	ssyncadd.s32 $0xFFFFFF80  }
0x2b: {  	v3 =	vld [tilespmem:$0x0];
	_ =	sdelay $0x4  }
0x2c: {  	v4 =	vshrl.u32 v3, $0x3  }
0x2d: {  	v4 =	vmul.u32 $0x30, v4  }
0x2e: {  	v3 =	vand.u32 $0x7, v3  }
0x2f: {  	v3 =	vor.u32 v3, v4  }
0x30: {  	v4 =	vperm.xlane v3, v0;
	_ =	sdelay $0x1  }
0x31: {  	v4 =	vadd.s32 v1, v4;
	_ =	sdelay $0x3  }
0x32: {  	v3 =	vperm.xlane v3, v2  }
0x33: {  	[tilespmem:s8], [sflag:$0x1] =	stream.indirect_vreg.gather [hbm4b:s3+s2], $0x80, v4, vm0, $0xb8;
	[tilespmem:$0x18080] =	vst v63  }
0x34: {  	s0 =	rddreg [dreg:$0x6];
	v3 =	vadd.s32 v1, v3  }
0x35: {  	[tilespmem:s0], [sflag:$0x1] =	stream.indirect_vreg.gather [hbm4b:s4+s2], $0x80, v4, vm0, $0xb8;
	[tilespmem:$0x18080] =	vst v63  }
0x36: {  	s10 =	rddreg [dreg:$0x7]  }
0x37: {  	[tilespmem:s10], [sflag:$0x1] =	stream.indirect_vreg.gather [hbm4b:s5+s2], $0x80, v4, vm0, $0xb8;
	[tilespmem:$0x18080] =	vst v63  }
0x38: {  	s0 =	rddreg [dreg:$0x8]  }
0x39: {  	[tilespmem:s0], [sflag:$0x1] =	stream.indirect_vreg.gather [hbm4b:s3+s2], $0x80, v3, vm0, $0xb8;
	[tilespmem:$0x18080] =	vst v63  }
0x3a: {  	s10 =	rddreg [dreg:$0x9]  }
0x3b: {  	[tilespmem:s10], [sflag:$0x1] =	stream.indirect_vreg.gather [hbm4b:s4+s2], $0x80, v3, vm0, $0xb8;
	[tilespmem:$0x18080] =	vst v63  }
0x3c: {  	s0 =	rddreg [dreg:$0xa]  }
0x3d: {  	[tilespmem:s0], [sflag:$0x1] =	stream.indirect_vreg.gather [hbm4b:s5+s2], $0x80, v3, vm0, $0xb8;
	[tilespmem:$0x18080] =	vst v63  }
0x3e: {  	v3 =	vld [tilespmem:$0x10];
	_ =	sdelay $0x4  }
0x3f: {  	v57 =	vshrl.u32 v3, $0x3  }
0x40: {  	v4 =	vmul.u32 $0x30, v57  }
0x41: {  	v3 =	vand.u32 $0x7, v3  }
0x42: {  	v3 =	vor.u32 v3, v4  }
0x43: {  	v4 =	vperm.xlane v3, v0;
	_ =	sdelay $0x1  }
0x44: {  	v4 =	vadd.s32 v1, v4;
	_ =	sdelay $0x3  }
0x45: {  	s0 =	rddreg [dreg:$0xb];
	v3 =	vperm.xlane v3, v2  }
0x46: {  	[tilespmem:s0], [sflag:$0x1] =	stream.indirect_vreg.gather [hbm4b:s3+s2], $0x80, v4, vm0, $0xb8;
	[tilespmem:$0x18080] =	vst v63  }
0x47: {  	s10 =	rddreg [dreg:$0xc];
	v3 =	vadd.s32 v1, v3  }
0x48: {  	[tilespmem:s10], [sflag:$0x1] =	stream.indirect_vreg.gather [hbm4b:s4+s2], $0x80, v4, vm0, $0xb8;
	[tilespmem:$0x18080] =	vst v63  }
0x49: {  	s0 =	rddreg [dreg:$0xd]  }
0x4a: {  	[tilespmem:s0], [sflag:$0x1] =	stream.indirect_vreg.gather [hbm4b:s5+s2], $0x80, v4, vm0, $0xb8;
	[tilespmem:$0x18080] =	vst v63  }
0x4b: {  	s10 =	rddreg [dreg:$0xe]  }
0x4c: {  	[tilespmem:s10], [sflag:$0x1] =	stream.indirect_vreg.gather [hbm4b:s3+s2], $0x80, v3, vm0, $0xb8;
	[tilespmem:$0x18080] =	vst v63  }
0x4d: {  	s0 =	rddreg [dreg:$0xf]  }
0x4e: {  	[tilespmem:s0], [sflag:$0x1] =	stream.indirect_vreg.gather [hbm4b:s4+s2], $0x80, v3, vm0, $0xb8;
	[tilespmem:$0x18080] =	vst v63  }
0x4f: {  	s10 =	rddreg [dreg:$0x10]  }
0x50: {  	[tilespmem:s10], [sflag:$0x1] =	stream.indirect_vreg.gather [hbm4b:s5+s2], $0x80, v3, vm0, $0xb8;
	[tilespmem:$0x18080] =	vst v63  }
0x51: {  	v3 =	vld [tilespmem:$0x20];
	_ =	sdelay $0x4  }
0x52: {  	v58 =	vshrl.u32 v3, $0x3  }
0x53: {  	v4 =	vmul.u32 $0x30, v58  }
0x54: {  	v3 =	vand.u32 $0x7, v3  }
0x55: {  	v3 =	vor.u32 v3, v4  }
0x56: {  	v4 =	vperm.xlane v3, v0;
	_ =	sdelay $0x1  }
0x57: {  	v4 =	vadd.s32 v1, v4;
	_ =	sdelay $0x3  }
0x58: {  	s0 =	rddreg [dreg:$0x11];
	v3 =	vperm.xlane v3, v2  }
0x59: {  	[tilespmem:s0], [sflag:$0x1] =	stream.indirect_vreg.gather [hbm4b:s3+s2], $0x80, v4, vm0, $0xb8;
	[tilespmem:$0x18080] =	vst v63  }
0x5a: {  	s10 =	rddreg [dreg:$0x12];
	v3 =	vadd.s32 v1, v3  }
0x5b: {  	[tilespmem:s10], [sflag:$0x1] =	stream.indirect_vreg.gather [hbm4b:s4+s2], $0x80, v4, vm0, $0xb8;
	[tilespmem:$0x18080] =	vst v63  }
0x5c: {  	s0 =	rddreg [dreg:$0x13]  }
0x5d: {  	[tilespmem:s0], [sflag:$0x1] =	stream.indirect_vreg.gather [hbm4b:s5+s2], $0x80, v4, vm0, $0xb8;
	[tilespmem:$0x18080] =	vst v63  }
0x5e: {  	s10 =	rddreg [dreg:$0x14]  }
0x5f: {  	[tilespmem:s10], [sflag:$0x1] =	stream.indirect_vreg.gather [hbm4b:s3+s2], $0x80, v3, vm0, $0xb8;
	[tilespmem:$0x18080] =	vst v63  }
0x60: {  	s0 =	rddreg [dreg:$0x15]  }
0x61: {  	[tilespmem:s0], [sflag:$0x1] =	stream.indirect_vreg.gather [hbm4b:s4+s2], $0x80, v3, vm0, $0xb8;
	[tilespmem:$0x18080] =	vst v63  }
0x62: {  	s10 =	rddreg [dreg:$0x16]  }
0x63: {  	[tilespmem:s10], [sflag:$0x1] =	stream.indirect_vreg.gather [hbm4b:s5+s2], $0x80, v3, vm0, $0xb8;
	[tilespmem:$0x18080] =	vst v63  }
0x64: {  	v3 =	vld [tilespmem:$0x30];
	_ =	sdelay $0x4  }
0x65: {  	v59 =	vshrl.u32 v3, $0x3  }
0x66: {  	v4 =	vmul.u32 $0x30, v59  }
0x67: {  	v3 =	vand.u32 $0x7, v3  }
0x68: {  	v3 =	vor.u32 v3, v4  }
0x69: {  	v4 =	vperm.xlane v3, v0;
	_ =	sdelay $0x1  }
0x6a: {  	v4 =	vadd.s32 v1, v4;
	_ =	sdelay $0x3  }
0x6b: {  	s0 =	rddreg [dreg:$0x17];
	v3 =	vperm.xlane v3, v2  }
0x6c: {  	[tilespmem:s0], [sflag:$0x1] =	stream.indirect_vreg.gather [hbm4b:s3+s2], $0x80, v4, vm0, $0xb8;
	[tilespmem:$0x18080] =	vst v63  }
0x6d: {  	s10 =	rddreg [dreg:$0x18];
	v3 =	vadd.s32 v1, v3  }
0x6e: {  	[tilespmem:s10], [sflag:$0x1] =	stream.indirect_vreg.gather [hbm4b:s4+s2], $0x80, v4, vm0, $0xb8;
	[tilespmem:$0x18080] =	vst v63  }
0x6f: {  	s0 =	rddreg [dreg:$0x19]  }
0x70: {  	[tilespmem:s0], [sflag:$0x1] =	stream.indirect_vreg.gather [hbm4b:s5+s2], $0x80, v4, vm0, $0xb8;
	[tilespmem:$0x18080] =	vst v63  }
0x71: {  	s10 =	rddreg [dreg:$0x1a]  }
0x72: {  	[tilespmem:s10], [sflag:$0x1] =	stream.indirect_vreg.gather [hbm4b:s3+s2], $0x80, v3, vm0, $0xb8;
	[tilespmem:$0x18080] =	vst v63  }
0x73: {  	s0 =	rddreg [dreg:$0x1b]  }
0x74: {  	[tilespmem:s0], [sflag:$0x1] =	stream.indirect_vreg.gather [hbm4b:s4+s2], $0x80, v3, vm0, $0xb8;
	[tilespmem:$0x18080] =	vst v63  }
0x75: {  	s10 =	rddreg [dreg:$0x1c]  }
0x76: {  	[tilespmem:s10], [sflag:$0x1] =	stream.indirect_vreg.gather [hbm4b:s5+s2], $0x80, v3, vm0, $0xb8;
	[tilespmem:$0x18080] =	vst v63  }
0x77: {  	v3 =	vld [tilespmem:$0x40];
	_ =	sdelay $0x4  }
0x78: {  	v60 =	vshrl.u32 v3, $0x3  }
0x79: {  	v4 =	vmul.u32 $0x30, v60  }
0x7a: {  	v3 =	vand.u32 $0x7, v3  }
0x7b: {  	v3 =	vor.u32 v3, v4  }
0x7c: {  	v4 =	vperm.xlane v3, v0;
	_ =	sdelay $0x1  }
0x7d: {  	v4 =	vadd.s32 v1, v4;
	_ =	sdelay $0x3  }
0x7e: {  	v3 =	vperm.xlane v3, v2  }
0x7f: {  	[tilespmem:s9], [sflag:$0x2] =	stream.indirect_vreg.gather [hbm4b:s3+s2], $0x80, v4, vm0, $0xb8;
	[tilespmem:$0x18080] =	vst v63  }
0x80: {  	s0 =	rddreg [dreg:$0x1d];
	v3 =	vadd.s32 v1, v3  }
0x81: {  	[tilespmem:s0], [sflag:$0x2] =	stream.indirect_vreg.gather [hbm4b:s4+s2], $0x80, v4, vm0, $0xb8;
	[tilespmem:$0x18080] =	vst v63  }
0x82: {  	s10 =	rddreg [dreg:$0x1e]  }
0x83: {  	[tilespmem:s10], [sflag:$0x2] =	stream.indirect_vreg.gather [hbm4b:s5+s2], $0x80, v4, vm0, $0xb8;
	[tilespmem:$0x18080] =	vst v63  }
0x84: {  	s0 =	rddreg [dreg:$0x1f]  }
0x85: {  	[tilespmem:s0], [sflag:$0x2] =	stream.indirect_vreg.gather [hbm4b:s3+s2], $0x80, v3, vm0, $0xb8;
	[tilespmem:$0x18080] =	vst v63  }
0x86: {  	s10 =	simm.s32 $0xE080  }
0x87: {  	[tilespmem:s10], [sflag:$0x2] =	stream.indirect_vreg.gather [hbm4b:s4+s2], $0x80, v3, vm0, $0xb8;
	[tilespmem:$0x18080] =	vst v63  }
0x88: {  	_ = 	snop  }
0x89: {  	[tilespmem:s11], [sflag:$0x2] =	stream.indirect_vreg.gather [hbm4b:s5+s2], $0x80, v3, vm0, $0xb8;
	[tilespmem:$0x18080] =	vst v63  }
0x8a: {  	v3 =	vld [tilespmem:$0x50];
	_ =	sdelay $0x4  }
0x8b: {  	v61 =	vshrl.u32 v3, $0x3  }
0x8c: {  	v4 =	vmul.u32 $0x30, v61  }
0x8d: {  	v3 =	vand.u32 $0x7, v3  }
0x8e: {  	v3 =	vor.u32 v3, v4  }
0x8f: {  	v4 =	vperm.xlane v3, v0;
	_ =	sdelay $0x1  }
0x90: {  	v4 =	vadd.s32 v1, v4;
	_ =	sdelay $0x3  }
0x91: {  	v3 =	vperm.xlane v3, v2  }
0x92: {  	[tilespmem:s12], [sflag:$0x2] =	stream.indirect_vreg.gather [hbm4b:s3+s2], $0x80, v4, vm0, $0xb8;
	[tilespmem:$0x18080] =	vst v63  }
0x93: {  	v3 =	vadd.s32 v1, v3  }
0x94: {  	[tilespmem:s13], [sflag:$0x2] =	stream.indirect_vreg.gather [hbm4b:s4+s2], $0x80, v4, vm0, $0xb8;
	[tilespmem:$0x18080] =	vst v63  }
0x95: {  	_ = 	snop  }
0x96: {  	[tilespmem:s14], [sflag:$0x2] =	stream.indirect_vreg.gather [hbm4b:s5+s2], $0x80, v4, vm0, $0xb8;
	[tilespmem:$0x18080] =	vst v63  }
0x97: {  	_ = 	snop  }
0x98: {  	[tilespmem:s15], [sflag:$0x2] =	stream.indirect_vreg.gather [hbm4b:s3+s2], $0x80, v3, vm0, $0xb8;
	[tilespmem:$0x18080] =	vst v63  }
0x99: {  	_ = 	snop  }
0x9a: {  	[tilespmem:s16], [sflag:$0x2] =	stream.indirect_vreg.gather [hbm4b:s4+s2], $0x80, v3, vm0, $0xb8;
	[tilespmem:$0x18080] =	vst v63  }
0x9b: {  	_ = 	snop  }
0x9c: {  	[tilespmem:s17], [sflag:$0x2] =	stream.indirect_vreg.gather [hbm4b:s5+s2], $0x80, v3, vm0, $0xb8;
	[tilespmem:$0x18080] =	vst v63  }
0x9d: {  	v3 =	vld [tilespmem:$0x60];
	_ =	sdelay $0x4  }
0x9e: {  	v62 =	vshrl.u32 v3, $0x3  }
0x9f: {  	v4 =	vmul.u32 $0x30, v62  }
0xa0: {  	v3 =	vand.u32 $0x7, v3  }
0xa1: {  	v3 =	vor.u32 v3, v4  }
0xa2: {  	v4 =	vperm.xlane v3, v0;
	_ =	sdelay $0x1  }
0xa3: {  	v4 =	vadd.s32 v1, v4;
	_ =	sdelay $0x3  }
0xa4: {  	v3 =	vperm.xlane v3, v2  }
0xa5: {  	[tilespmem:s18], [sflag:$0x2] =	stream.indirect_vreg.gather [hbm4b:s3+s2], $0x80, v4, vm0, $0xb8;
	[tilespmem:$0x18080] =	vst v63  }
0xa6: {  	v3 =	vadd.s32 v1, v3  }
0xa7: {  	[tilespmem:s19], [sflag:$0x2] =	stream.indirect_vreg.gather [hbm4b:s4+s2], $0x80, v4, vm0, $0xb8;
	[tilespmem:$0x18080] =	vst v63  }
0xa8: {  	_ = 	snop  }
0xa9: {  	[tilespmem:s20], [sflag:$0x2] =	stream.indirect_vreg.gather [hbm4b:s5+s2], $0x80, v4, vm0, $0xb8;
	[tilespmem:$0x18080] =	vst v63  }
0xaa: {  	_ = 	snop  }
0xab: {  	[tilespmem:s21], [sflag:$0x2] =	stream.indirect_vreg.gather [hbm4b:s3+s2], $0x80, v3, vm0, $0xb8;
	[tilespmem:$0x18080] =	vst v63  }
0xac: {  	_ = 	snop  }
0xad: {  	[tilespmem:s22], [sflag:$0x2] =	stream.indirect_vreg.gather [hbm4b:s4+s2], $0x80, v3, vm0, $0xb8;
	[tilespmem:$0x18080] =	vst v63  }
0xae: {  	_ = 	snop  }
0xaf: {  	[tilespmem:s23], [sflag:$0x2] =	stream.indirect_vreg.gather [hbm4b:s5+s2], $0x80, v3, vm0, $0xb8;
	[tilespmem:$0x18080] =	vst v63  }
0xb0: {  	v3 =	vld [tilespmem:$0x70];
	_ =	sdelay $0x4  }
0xb1: {  	v63 =	vshrl.u32 v3, $0x3  }
0xb2: {  	v4 =	vmul.u32 $0x30, v63  }
0xb3: {  	v3 =	vand.u32 $0x7, v3  }
0xb4: {  	v3 =	vor.u32 v3, v4  }
0xb5: {  	v4 =	vperm.xlane v3, v0;
	_ =	sdelay $0x1  }
0xb6: {  	v4 =	vadd.s32 v1, v4;
	_ =	sdelay $0x3  }
0xb7: {  	v3 =	vperm.xlane v3, v2  }
0xb8: {  	[tilespmem:s24], [sflag:$0x2] =	stream.indirect_vreg.gather [hbm4b:s3+s2], $0x80, v4, vm0, $0xb8;
	[tilespmem:$0x18080] =	vst v63  }
0xb9: {  	v3 =	vadd.s32 v1, v3  }
0xba: {  	[tilespmem:s25], [sflag:$0x2] =	stream.indirect_vreg.gather [hbm4b:s4+s2], $0x80, v4, vm0, $0xb8;
	[tilespmem:$0x18080] =	vst v63  }
0xbb: {  	_ = 	snop  }
0xbc: {  	[tilespmem:s26], [sflag:$0x2] =	stream.indirect_vreg.gather [hbm4b:s5+s2], $0x80, v4, vm0, $0xb8;
	[tilespmem:$0x18080] =	vst v63  }
0xbd: {  	_ = 	snop  }
0xbe: {  	[tilespmem:s28], [sflag:$0x2] =	stream.indirect_vreg.gather [hbm4b:s3+s2], $0x80, v3, vm0, $0xb8;
	[tilespmem:$0x18080] =	vst v63  }
0xbf: {  	_ = 	snop  }
0xc0: {  	[tilespmem:s29], [sflag:$0x2] =	stream.indirect_vreg.gather [hbm4b:s4+s2], $0x80, v3, vm0, $0xb8;
	[tilespmem:$0x18080] =	vst v63  }
0xc1: {  	_ = 	snop  }
0xc2: {  	[tilespmem:s30], [sflag:$0x2] =	stream.indirect_vreg.gather [hbm4b:s5+s2], $0x80, v3, vm0, $0xb8;
	[tilespmem:$0x18080] =	vst v63  }
0xc3: {  	_ =	swait.ge [sflag:s31], $0xC000  }
0xc4: {  	[sflag:s31] =	ssyncset.done $0x0  }
0xc5: {  	s10 =	rddreg [dreg:$0x4];
	[sflag:s31] =	ssyncadd.s32 $0xFFFF4000  }
0xc6: {  	[hbm4b:s10+s2] =	stream.linear.scatter [tilespmem:s8], [sflag:$0x3], $0xC000, $0x38;
	[tilespmem:$0x18080] =	vst v63  }
0xc7: {  	_ =	swait.ge [sflag:s7], $0xC000  }
0xc8: {  	[sflag:s7] =	ssyncset.done $0x0  }
0xc9: {  	[sflag:s7] =	ssyncadd.s32 $0xFFFF4000  }
0xca: {  	_ =	swait.ge [sflag:s1], $0xC000  }
0xcb: {  	p0 =	sne.s32 s6, $0x1;
	[sflag:s1] =	ssyncset.done $0x0  }
.Ltmp0:
0xcc: {  	s10 =	rddreg [dreg:$0x5];
	[sflag:s1] =	ssyncadd.s32 $0xFFFF4000;
	(pc) =	sbr.rel @p0 .LBB2_1-.Ltmp0, $4  }
0xcd: {  	[hbm4b:s10+s2] =	stream.linear.scatter [tilespmem:s9], [sflag:$0x3], $0xC000, $0x38;
	[tilespmem:$0x18080] =	vst v63  }
0xce: {  	_ =	swait.ge [sflag:s7], $0xC000  }
0xcf: {  	[sflag:s7] =	ssyncset.done $0x0  }
0xd0: {  	s6 =	sadd.s32 $0xFFFFFFFF, s6;
	[sflag:s7] =	ssyncadd.s32 $0xFFFF4000  }
0xd1: {  	_ =	sfence.sel $0x180000  }
0xd2: {  	[bflag:$0x0] =	sbarrier.arrive $0xFFFF  }
0xd3: {  	_ =	strace $0x9000004A  }
0xd4: {  	s0 =	stileid.u32;
	[bflag:$0x2] =	sbarrier.arrive $0xFFFF  }
0xd5: {  	p0 =	sne.s32 s0, $0x0;
	s0 =	rddreg [dreg:$0x2]  }
0xd6: {  	s0 =	sadd.s32 @!p0 $0x100000, s0  }
0xd7: {  	[sflag:s0] =	ssyncadd.tile.s32 @!p0 $0x1;
	_ =	shalt  }
.Lfunc_end2:
_tile_overlayer_lowered:
.L_overlay_start_2:
0xd8: {  	(tag) =	ssettag $0x2  }
0xd9: {  	s0 =	rddreg [dreg:$0x0];
	s2 =	stileid.u32  }
0xda: {  	s1 =	rddreg [dreg:$0x1];
	p0 =	sne.s32 s2, $0x0  }
0xdb: {  	s3 =	rddreg [dreg:$0x2];
	[bflag:$0x3] =	sbarrier.arrive $0xFFFF;
	s2 =	simm.s32 @!p0 $0x1C03  }
0xdc: {  	[timem:s3], [sflag:s2] =	dma.local @!p0 [hbm:s0], s1  }
0xdd: {  	s0 =	simm.s32 @!p0 $0x3  }
0xde: {  	_ =	swait.ge @!p0 [sflag:s0], s1  }
0xdf: {  	s1 =	ssub.s32 @!p0 $0x0, s1;
	[sflag:s0] =	ssyncset.done @!p0 $0x0  }
0xe0: {  	[sflag:s0] =	ssyncadd.s32 @!p0 s1  }
0xe1: {  	[bflag:$0x3] =	sbarrier.arrive $0xFFFF  }
0xe2: {  	_ =	shalt  }

// kernel: kernel.7.cloned.1.call-start
scs
__scs_entry_jumppad:
0x0: {  	(pc) =	sbr.rel $0x88, $3  }
0x1: {  	(tag) =	ssettag $0x0;
	lr =	simm.s32 $0x1  }
0x2: {  	[smem:$0x3F9A] =	sst lr;
	_ =	strace $0xD0000000  }
0x3: {  	_ = 	snop  }
0x4: {  	_ = 	snop  }
0x5: {  	_ = 	snop  }
0x6: {  	_ = 	snop  }
0x7: {  	_ = 	snop  }
__scs_overlays_trampoline_lowered:
0x8: {  	[smem:$0x3FA9] =	sst s0  }
0x9: {  	[smem:$0x3FAA] =	sst s1  }
0xa: {  	[smem:$0x3FAB] =	sst s2  }
0xb: {  	[smem:$0x3FAC] =	sst s3  }
0xc: {  	[smem:$0x3FAD] =	sst s4  }
0xd: {  	[smem:$0x3FAE] =	sst s5  }
0xe: {  	[smem:$0x3FAF] =	sst s6  }
0xf: {  	[smem:$0x3FB0] =	sst s7  }
0x10: {  	[smem:$0x3FB1] =	sst s8  }
0x11: {  	[smem:$0x3FB2] =	sst s9;
	s0 =	simm.s32 @!p0 $0x0  }
0x12: {  	s1 =	sld [smem:$0x3F98];
	s0 =	simm.s32 @p0 $0x1  }
0x13: {  	[smem:$0x3FB3] =	sst s0;
	s0 =	simm.s32 @!p1 $0x0  }
0x14: {  	s2 =	sld [smem:$0x3F97];
	s0 =	simm.s32 @p1 $0x1  }
0x15: {  	[smem:$0x3FB4] =	sst s0;
	s0 =	simm.s32 @!p2 $0x0  }
0x16: {  	s3 =	sld [smem:$0x3FDB];
	s0 =	simm.s32 @p2 $0x1  }
0x17: {  	s4 =	simm.s32 $0x1BF5;
	[smem:$0x3FB6] =	sst s0  }
0x18: {  	s0 =	sld [smem:$0x3F99];
	_ =	swait.ge [sflag:s4], $0x0  }
0x19: {  	s7 =	sld [smem:$0x3F9A]  }
0x1a: {  	s8 =	sadd.s32 $0xFFFFE003, lr  }
0x1b: {  	s9 =	sadd.s32 $0xFFFFFEF7, lr;
	s5 =	simm.s32 $0xFFFFFFFF;
	p2 =	slt.u32 s8, $0xFFFFF086  }
0x1c: {  	p1 =	slt.u32 s9, $0xF7A;
	s5 =	simm.s32 @!p2 $0x0  }
0x1d: {  	s5 =	simm.s32 @p1 $0x1;
	p0 =	seq.s32 s7, s2  }
0x1e: {  	s7 =	smul.u32 @!p0 $0xF7A, s2;
	p2 =	seq.s32 @!p0 s5, $0x0  }
0x1f: {  	s9 =	smul.u32 $0xF7A, s1;
	s8 =	simm.s32 @!p0 $0x1BF5;
	p2 =	por !p2, p0  }
0x20: {  	[sflag:s8] =	ssyncset.s32 @!p0 $0xFFFFF086;
	s6 =	sadd.s32 @!p0 s3, s7;
	s7 =	simm.s32 @!p0 $0x108  }
0x21: {  	s3 =	sadd.s32 s3, s9;
	s6 =	sadd.s32 @!p0 $0x88, s6;
	s7 =	simm.s32 @p2 $0x1082  }
0x22: {  	[simem:s7], [sflag:s8] =	dma.local @!p0 [hbm:s6], $0xF7A  }
0x23: {  	s9 =	sor.u32 $0xD0000000, s2;
	s6 =	simm.s32 $0x108;
	_ =	swait.ge @!p0 [sflag:s8], $0x0  }
0x24: {  	s3 =	sadd.s32 $0x88, s3;
	s6 =	simm.s32 @!p1 $0x1082;
	[sflag:s4] =	ssyncset.s32 $0xFFFFF086  }
0x25: {  	[simem:s6], [sflag:s4] =	dma.local [hbm:s3], $0xF7A  }
0x26: {  	[smem:$0x3F9A] =	sst s1;
	(tag) =	ssettag s2;
	_ =	strace s9  }
0x27: {  	s1 =	sld [smem:$0x3FAA]  }
0x28: {  	s2 =	sld [smem:$0x3FAB]  }
0x29: {  	s4 =	sld [smem:$0x3FAD]  }
0x2a: {  	p0 =	seq.s32 s5, $0x0;
	s5 =	sld [smem:$0x3FAE]  }
0x2b: {  	s6 =	sld [smem:$0x3FAF]  }
0x2c: {  	s7 =	sld [smem:$0x3FB0]  }
0x2d: {  	s3 =	simm.s32 $0x108;
	s8 =	sld [smem:$0x3FB1]  }
0x2e: {  	s3 =	simm.s32 @!p0 $0x1082;
	s9 =	sld [smem:$0x3FB2]  }
0x2f: {  	lr =	sadd.s32 s0, s3;
	s0 =	sld [smem:$0x3FA9]  }
0x30: {  	s3 =	sld [smem:$0x3FAC]  }
0x31: {  	[smem:$0x3FB5] =	sst s10  }
0x32: {  	s10 =	sld [smem:$0x3FB3];
	_ =	sdelay $0x3  }
0x33: {  	p0 =	seq.s32 s10, $0x1;
	s10 =	sld [smem:$0x3FB5];
	_ =	sdelay $0x3  }
0x34: {  	[smem:$0x3FB5] =	sst s10  }
0x35: {  	s10 =	sld [smem:$0x3FB4];
	_ =	sdelay $0x3  }
0x36: {  	p1 =	seq.s32 s10, $0x1;
	s10 =	sld [smem:$0x3FB5];
	_ =	sdelay $0x3  }
0x37: {  	[smem:$0x3FB5] =	sst s10  }
0x38: {  	s10 =	sld [smem:$0x3FB6]  }
0x39: {  	_ = 	snop;
	(pc) =	sbr.ind lr, $3  }
0x3a: {  	_ = 	snop  }
0x3b: {  	_ = 	snop  }
0x3c: {  	p2 =	seq.s32 s10, $0x1;
	s10 =	sld [smem:$0x3FB5]  }
0x3d: {  	_ =	shalt  }
0x3e: {  	_ =	shalt  }
0x3f: {  	_ =	shalt  }
0x40: {  	_ =	shalt  }
0x41: {  	_ =	shalt  }
0x42: {  	_ =	shalt  }
0x43: {  	_ =	shalt  }
0x44: {  	_ =	shalt  }
0x45: {  	_ =	shalt  }
0x46: {  	_ =	shalt  }
0x47: {  	_ =	shalt  }
0x48: {  	_ =	shalt  }
0x49: {  	_ =	shalt  }
0x4a: {  	_ =	shalt  }
0x4b: {  	_ =	shalt  }
0x4c: {  	_ =	shalt  }
0x4d: {  	_ =	shalt  }
0x4e: {  	_ =	shalt  }
0x4f: {  	_ =	shalt  }
0x50: {  	_ =	shalt  }
0x51: {  	_ =	shalt  }
0x52: {  	_ =	shalt  }
0x53: {  	_ =	shalt  }
0x54: {  	_ =	shalt  }
0x55: {  	_ =	shalt  }
0x56: {  	_ =	shalt  }
0x57: {  	_ =	shalt  }
0x58: {  	_ =	shalt  }
0x59: {  	_ =	shalt  }
0x5a: {  	_ =	shalt  }
0x5b: {  	_ =	shalt  }
0x5c: {  	_ =	shalt  }
0x5d: {  	_ =	shalt  }
0x5e: {  	_ =	shalt  }
0x5f: {  	_ =	shalt  }
0x60: {  	_ =	shalt  }
0x61: {  	_ =	shalt  }
0x62: {  	_ =	shalt  }
0x63: {  	_ =	shalt  }
0x64: {  	_ =	shalt  }
0x65: {  	_ =	shalt  }
0x66: {  	_ =	shalt  }
0x67: {  	_ =	shalt  }
0x68: {  	_ =	shalt  }
0x69: {  	_ =	shalt  }
0x6a: {  	_ =	shalt  }
0x6b: {  	_ =	shalt  }
0x6c: {  	_ =	shalt  }
0x6d: {  	_ =	shalt  }
0x6e: {  	_ =	shalt  }
0x6f: {  	_ =	shalt  }
0x70: {  	_ =	shalt  }
0x71: {  	_ =	shalt  }
0x72: {  	_ =	shalt  }
0x73: {  	_ =	shalt  }
0x74: {  	_ =	shalt  }
0x75: {  	_ =	shalt  }
0x76: {  	_ =	shalt  }
0x77: {  	_ =	shalt  }
0x78: {  	_ =	shalt  }
0x79: {  	_ =	shalt  }
0x7a: {  	_ =	shalt  }
0x7b: {  	_ =	shalt  }
0x7c: {  	_ =	shalt  }
0x7d: {  	_ =	shalt  }
0x7e: {  	_ =	shalt  }
0x7f: {  	_ =	shalt  }
0x80: {  	_ =	shalt  }
0x81: {  	_ =	shalt  }
0x82: {  	_ =	shalt  }
0x83: {  	_ =	shalt  }
0x84: {  	_ =	shalt  }
0x85: {  	_ =	shalt  }
0x86: {  	_ =	shalt  }
0x87: {  	_ =	shalt  }
.Lfunc_end0:
.L_simem_size_0:
called_computation_lowered:
.L_overlay_start_0:
0x88: {  	s2 =	sld [smem:$0x3FD9]  }
0x89: {  	s3 =	sld [smem:$0x3FFE];
	_ =	sdelay $0x1  }
0x8a: {  	s1 =	srdreg.scid  }
0x8b: {  	s0 =	sand.u32 $0x1, s1  }
0x8c: {  	s17 =	sshll.u32 s0, $0xA;
	s2 =	sadd.s32 s3, s2  }
0x8d: {  	s2 =	sadd.s32 s2, s17  }
0x8e: {  	[smem:$0x3FC1] =	sst s2  }
0x8f: {  	_ = 	snop  }
0x90: {  	s2 =	sld [smem:$0x3FC9];
	(tm) =	ssettm $0x1  }
0x91: {  	s18 =	sld [smem:$0x3FFB];
	_ =	sdelay $0x3  }
0x92: {  	_ =	strace s18  }
0x93: {  	s3 =	sld [smem:$0x3FFC];
	_ =	sdelay $0x3  }
0x94: {  	_ =	strace s3  }
0x95: {  	s3 =	sld [smem:$0x3FFD];
	_ =	sdelay $0x3  }
0x96: {  	_ =	strace s3  }
0x97: {  	_ =	strace $0x8FFFFFFF  }
0x98: {  	s19 =	sld [smem:$0x3FDB];
	_ =	sdelay $0x1  }
0x99: {  	s4 =	simm.s32 $_scs_section_size  }
0x9a: {  	s5 =	simm.s32 $_size__tile_overlayer_lowered;
	s6 =	simm.s32 $_tile_overlayer_lowered  }
0x9b: {  	s22 =	simm.s32 $0x1BFF;
	s21 =	sshll.u32 s6, $0x1;
	s3 =	sadd.s32 s4, s19  }
0x9c: {  	s7 =	simm.s32 $0x0;
	s20 =	sshll.u32 s5, $0x1;
	s5 =	sadd.s32 s21, s3  }
0x9d: {  	[timem:s7], [sflag:s22] =	dma.local [hbm:s5], s20  }
0x9e: {  	_ =	swait.ge [sflag:s22], s20  }
0x9f: {  	s4 =	ssub.s32 $0x0, s20;
	[sflag:s22] =	ssyncset.done $0x0  }
0xa0: {  	[sflag:s22] =	ssyncadd.s32 s4;
	_ =	sdelay $0x1  }
0xa1: {  	s23 =	simm.s32 $0x1B8B  }
0xa2: {  	_ =	swait.ge [sflag:s23], $0x1  }
0xa3: {  	[sflag:s23] =	ssyncset.done $0x0  }
0xa4: {  	s25 =	simm.s32 $0x1B8E;
	s24 =	sld [smem:$0x3FFE];
	[sflag:s23] =	ssyncadd.s32 $0xFFFFFFFF  }
0xa5: {  	s26 =	simm.s32 $execute0_lowered;
	[smem:$0x3FD2] =	sst s25  }
0xa6: {  	s5 =	sshll.u32 s26, $0x1;
	_ =	strace $0x80000046;
	[dreg:$0x1] =	wrdreg $0xFFFFFFFF  }
0xa7: {  	s28 =	simm.s32 $_size_execute0_lowered;
	s3 =	sadd.s32 s3, s5;
	[dreg:$0x0] =	wrdreg $0x0  }
0xa8: {  	s5 =	sshll.u32 s28, $0x1;
	[dreg:$0x2] =	wrdreg s3  }
0xa9: {  	[dreg:$0x3] =	wrdreg s5  }
0xaa: {  	[dreg:$0x4] =	wrdreg $0xC0  }
0xab: {  	_ =	task [dreg:s7], $0x5FFFF  }
0xac: {  	[dreg:$0x1] =	wrdreg $0xFFFFFFFF  }
0xad: {  	[dreg:$0x0] =	wrdreg $0x60  }
0xae: {  	[dreg:$0x2] =	wrdreg s24  }
0xaf: {  	[dreg:$0x3] =	wrdreg s2  }
0xb0: {  	[dreg:$0x4] =	wrdreg $0x9  }
0xb1: {  	_ =	task.clear_ibuf [dreg:s7], $0x5FFFF;
	_ =	strace $0x90000046  }
0xb2: {  	s29 =	simm.s32 $0x9;
	_ =	strace $0x80000048  }
0xb3: {  	_ =	swait.ge [sflag:s29], $0x1  }
0xb4: {  	[sflag:s29] =	ssyncadd.s32 $0xFFFFFFFF  }
0xb5: {  	_ =	strace $0x90000048  }
0xb6: {  	_ =	sfence  }
0xb7: {  	s30 =	sld [smem:$0x0];
	_ =	sdelay $0x2  }
0xb8: {  	s31 =	sshll.u32 s1, $0xD;
	s1 =	sshrl.u32 s1, $0x2  }
0xb9: {  	s3 =	sand.u32 $0x4000, s31;
	s1 =	sadd.s32 s1, s30  }
0xba: {  	s0 =	sor.u32 s3, s0;
	s1 =	sshll.u32 s1, $0x11  }
0xbb: {  	s0 =	sor.u32 s1, s0  }
0xbc: {  	s0 =	sadd.s32 $0x8F2B, s0  }
0xbd: {  	[sflag:s0] =	ssyncadd.remote.s32 $0x1  }
0xbe: {  	_ =	sfence.sel $0xFFFF  }
0xbf: {  	[dreg:$0x0] =	wrdreg $0xFFFFFFFF;
	(pc) =	sbr.abs _section_cstart, $3  }
0xc0: {  	[dreg:$0x1] =	wrdreg $0xFFFFFFFF  }
0xc1: {  	_ =	task.clear_ibuf [dreg:s7], $0x2FFFF;
	_ =	strace $0x9FFFFFFF  }
0xc2: {  	(tm) =	ssettm $0x7FFFFFFF  }
0xc3: {  	_ =	shalt  }
tec
execute0_lowered:
.L_overlay_start_1:
0x0: {  	(tag) =	ssettag $0x1  }
0x1: {  	s0 =	rddreg [dreg:$0x0]  }
0x2: {  	s1 =	rddreg [dreg:$0x1];
	s2 =	srdreg.scid  }
0x3: {  	s3 =	stileid.u32;
	s26 =	simm.s32 $0x80;
	s9 =	simm.s32 $0x2  }
0x4: {  	s12 =	simm.s32 $0x1900;
	s13 =	simm.s32 $0x2100;
	s14 =	simm.s32 $0x2900  }
0x5: {  	s15 =	simm.s32 $0x3100;
	s16 =	simm.s32 $0x3900;
	s17 =	simm.s32 $0x4100  }
0x6: {  	s18 =	simm.s32 $0x4900;
	s19 =	simm.s32 $0x5100;
	s20 =	simm.s32 $0x5900  }
0x7: {  	s21 =	simm.s32 $0x6100;
	s22 =	simm.s32 $0x6900;
	s23 =	simm.s32 $0x7100  }
0x8: {  	s24 =	simm.s32 $0x7900;
	s28 =	simm.s32 $0x9100;
	s29 =	simm.s32 $0x9900  }
0x9: {  	s30 =	simm.s32 $0xA100;
	s31 =	simm.s32 $0xA900;
	s4 =	sand.u32 $0x1, s2  }
0xa: {  	s2 =	simm.s32 $0x0;
	s3 =	sshll.u32 s3, $0x4;
	s5 =	sshll.u32 s4, $0x3  }
0xb: {  	[smem:$0x7FF] =	sst s2;
	s4 =	ssub.s32 $0x2, s4;
	s5 =	sor.u32 s5, s3  }
0xc: {  	_ =	strace $0x80000047;
	s3 =	sadd.s32 $0x1A00, s0;
	s8 =	sshrl.u32 s4, $0x1  }
0xd: {  	[dreg:$0x6] =	wrdreg s26;
	s26 =	simm.s32 $0x8900;
	s6 =	sadd.s32 s5, s0  }
0xe: {  	s5 =	smul.u32 $0x300, s5;
	s25 =	ssub.s32 s4, s8;
	s7 =	sadd.s32 $0x1800, s6  }
0xf: {  	s4 =	sadd.s32 $0x1B00, s0;
	s6 =	sadd.s32 $0x1600, s6;
	[dreg:$0x3] =	wrdreg s7  }
0x10: {  	v2 =	vlaneseq.u32;
	s8 =	simm.s32 $0xB900;
	[dreg:$0x4] =	wrdreg s6;
	s1 =	sadd.s32 s1, s5  }
0x11: {  	vm0 =	vmmov $0xffff;
	v1 =	vshrl.u32 v2, $0x3;
	s5 =	sadd.s32 $0x1C00, s0;
	s6 =	smax.u32 s25, $0x1;
	s7 =	simm.s32 $0x3  }
0x12: {  	v0 =	vand.u32 $0x7, v2;
	v2 =	vor.u32 $0x8, v2;
	v1 =	vmul.u32 $0x8, v1;
	s25 =	simm.s32 $0x8100;
	[dreg:$0x5] =	wrdreg s1;
	s1 =	simm.s32 $0x100  }
.LBB2_1:
0x13: {  	s10 =	rddreg [dreg:$0x3]  }
0x14: {  	[tilespmem:s2], [sflag:$0x3] =	stream.linear.gather [hbm4b:s10+s2], $0x40, $0x38;
	[tilespmem:$0xC100] =	vst v63  }
0x15: {  	_ =	swait.ge [sflag:s7], $0x40  }
0x16: {  	s0 =	rddreg [dreg:$0x4];
	[sflag:s7] =	ssyncset.done $0x0  }
0x17: {  	s11 =	rddreg [dreg:$0x6];
	[sflag:s7] =	ssyncadd.s32 $0xFFFFFFC0  }
0x18: {  	[tilespmem:s11], [sflag:$0x3] =	stream.linear.gather [hbm4b:s0+s2], $0x40, $0x38;
	[tilespmem:$0xC100] =	vst v63  }
0x19: {  	_ =	swait.ge [sflag:s7], $0x40  }
0x1a: {  	[sflag:s7] =	ssyncset.done $0x0  }
0x1b: {  	s0 =	rddreg [dreg:$0x5];
	[sflag:s7] =	ssyncadd.s32 $0xFFFFFFC0  }
0x1c: {  	[tilespmem:s1], [sflag:$0x3] =	stream.linear.gather [hbm4b:s0+s2], $0xC000, $0x38;
	[tilespmem:$0xC100] =	vst v63  }
0x1d: {  	_ =	swait.ge [sflag:s7], $0xC000  }
0x1e: {  	[sflag:s7] =	ssyncset.done $0x0  }
0x1f: {  	[sflag:s7] =	ssyncadd.s32 $0xFFFF4000  }
0x20: {  	v3 =	vld [tilespmem:$0x0];
	_ =	sdelay $0x4  }
0x21: {  	v4 =	vshrl.u32 v3, $0x3  }
0x22: {  	v4 =	vmul.u32 $0x30, v4  }
0x23: {  	v3 =	vand.u32 $0x7, v3  }
0x24: {  	v3 =	vor.u32 v3, v4  }
0x25: {  	v4 =	vperm.xlane v3, v0;
	_ =	sdelay $0x1  }
0x26: {  	v4 =	vadd.s32 v1, v4;
	_ =	sdelay $0x3  }
0x27: {  	v3 =	vperm.xlane v3, v2  }
0x28: {  	[hbm4b:s3+s2] =	stream.indirect_vreg.scatter [tilespmem:s1], [sflag:$0x1], $0x80, v4, vm0, $0xb8;
	[tilespmem:$0xC100] =	vst v63  }
0x29: {  	s10 =	simm.s32 $0x900;
	v3 =	vadd.s32 v1, v3  }
0x2a: {  	[hbm4b:s4+s2] =	stream.indirect_vreg.scatter [tilespmem:s10], [sflag:$0x1], $0x80, v4, vm0, $0xb8;
	[tilespmem:$0xC100] =	vst v63  }
0x2b: {  	s11 =	simm.s32 $0x1100  }
0x2c: {  	[hbm4b:s5+s2] =	stream.indirect_vreg.scatter [tilespmem:s11], [sflag:$0x1], $0x80, v4, vm0, $0xb8;
	[tilespmem:$0xC100] =	vst v63  }
0x2d: {  	_ = 	snop  }
0x2e: {  	[hbm4b:s3+s2] =	stream.indirect_vreg.scatter [tilespmem:s12], [sflag:$0x1], $0x80, v3, vm0, $0xb8;
	[tilespmem:$0xC100] =	vst v63  }
0x2f: {  	_ = 	snop  }
0x30: {  	[hbm4b:s4+s2] =	stream.indirect_vreg.scatter [tilespmem:s13], [sflag:$0x1], $0x80, v3, vm0, $0xb8;
	[tilespmem:$0xC100] =	vst v63  }
0x31: {  	_ = 	snop  }
0x32: {  	[hbm4b:s5+s2] =	stream.indirect_vreg.scatter [tilespmem:s14], [sflag:$0x1], $0x80, v3, vm0, $0xb8;
	[tilespmem:$0xC100] =	vst v63  }
0x33: {  	v3 =	vld [tilespmem:$0x10];
	_ =	sdelay $0x4  }
0x34: {  	v57 =	vshrl.u32 v3, $0x3  }
0x35: {  	v4 =	vmul.u32 $0x30, v57  }
0x36: {  	v3 =	vand.u32 $0x7, v3  }
0x37: {  	v3 =	vor.u32 v3, v4  }
0x38: {  	v4 =	vperm.xlane v3, v0;
	_ =	sdelay $0x1  }
0x39: {  	v4 =	vadd.s32 v1, v4;
	_ =	sdelay $0x3  }
0x3a: {  	v3 =	vperm.xlane v3, v2  }
0x3b: {  	[hbm4b:s3+s2] =	stream.indirect_vreg.scatter [tilespmem:s15], [sflag:$0x1], $0x80, v4, vm0, $0xb8;
	[tilespmem:$0xC100] =	vst v63  }
0x3c: {  	v3 =	vadd.s32 v1, v3  }
0x3d: {  	[hbm4b:s4+s2] =	stream.indirect_vreg.scatter [tilespmem:s16], [sflag:$0x1], $0x80, v4, vm0, $0xb8;
	[tilespmem:$0xC100] =	vst v63  }
0x3e: {  	_ = 	snop  }
0x3f: {  	[hbm4b:s5+s2] =	stream.indirect_vreg.scatter [tilespmem:s17], [sflag:$0x1], $0x80, v4, vm0, $0xb8;
	[tilespmem:$0xC100] =	vst v63  }
0x40: {  	_ = 	snop  }
0x41: {  	[hbm4b:s3+s2] =	stream.indirect_vreg.scatter [tilespmem:s18], [sflag:$0x1], $0x80, v3, vm0, $0xb8;
	[tilespmem:$0xC100] =	vst v63  }
0x42: {  	_ = 	snop  }
0x43: {  	[hbm4b:s4+s2] =	stream.indirect_vreg.scatter [tilespmem:s19], [sflag:$0x1], $0x80, v3, vm0, $0xb8;
	[tilespmem:$0xC100] =	vst v63  }
0x44: {  	_ = 	snop  }
0x45: {  	[hbm4b:s5+s2] =	stream.indirect_vreg.scatter [tilespmem:s20], [sflag:$0x1], $0x80, v3, vm0, $0xb8;
	[tilespmem:$0xC100] =	vst v63  }
0x46: {  	v3 =	vld [tilespmem:$0x20];
	_ =	sdelay $0x4  }
0x47: {  	v58 =	vshrl.u32 v3, $0x3  }
0x48: {  	v4 =	vmul.u32 $0x30, v58  }
0x49: {  	v3 =	vand.u32 $0x7, v3  }
0x4a: {  	v3 =	vor.u32 v3, v4  }
0x4b: {  	v4 =	vperm.xlane v3, v0;
	_ =	sdelay $0x1  }
0x4c: {  	v4 =	vadd.s32 v1, v4;
	_ =	sdelay $0x3  }
0x4d: {  	v3 =	vperm.xlane v3, v2  }
0x4e: {  	[hbm4b:s3+s2] =	stream.indirect_vreg.scatter [tilespmem:s21], [sflag:$0x1], $0x80, v4, vm0, $0xb8;
	[tilespmem:$0xC100] =	vst v63  }
0x4f: {  	v3 =	vadd.s32 v1, v3  }
0x50: {  	[hbm4b:s4+s2] =	stream.indirect_vreg.scatter [tilespmem:s22], [sflag:$0x1], $0x80, v4, vm0, $0xb8;
	[tilespmem:$0xC100] =	vst v63  }
0x51: {  	_ = 	snop  }
0x52: {  	[hbm4b:s5+s2] =	stream.indirect_vreg.scatter [tilespmem:s23], [sflag:$0x1], $0x80, v4, vm0, $0xb8;
	[tilespmem:$0xC100] =	vst v63  }
0x53: {  	_ = 	snop  }
0x54: {  	[hbm4b:s3+s2] =	stream.indirect_vreg.scatter [tilespmem:s24], [sflag:$0x1], $0x80, v3, vm0, $0xb8;
	[tilespmem:$0xC100] =	vst v63  }
0x55: {  	_ = 	snop  }
0x56: {  	[hbm4b:s4+s2] =	stream.indirect_vreg.scatter [tilespmem:s25], [sflag:$0x1], $0x80, v3, vm0, $0xb8;
	[tilespmem:$0xC100] =	vst v63  }
0x57: {  	_ = 	snop  }
0x58: {  	[hbm4b:s5+s2] =	stream.indirect_vreg.scatter [tilespmem:s26], [sflag:$0x1], $0x80, v3, vm0, $0xb8;
	[tilespmem:$0xC100] =	vst v63  }
0x59: {  	v3 =	vld [tilespmem:$0x30];
	_ =	sdelay $0x4  }
0x5a: {  	v59 =	vshrl.u32 v3, $0x3  }
0x5b: {  	v4 =	vmul.u32 $0x30, v59  }
0x5c: {  	v3 =	vand.u32 $0x7, v3  }
0x5d: {  	v3 =	vor.u32 v3, v4  }
0x5e: {  	v4 =	vperm.xlane v3, v0;
	_ =	sdelay $0x1  }
0x5f: {  	v4 =	vadd.s32 v1, v4;
	_ =	sdelay $0x3  }
0x60: {  	v3 =	vperm.xlane v3, v2  }
0x61: {  	[hbm4b:s3+s2] =	stream.indirect_vreg.scatter [tilespmem:s28], [sflag:$0x1], $0x80, v4, vm0, $0xb8;
	[tilespmem:$0xC100] =	vst v63  }
0x62: {  	v3 =	vadd.s32 v1, v3  }
0x63: {  	[hbm4b:s4+s2] =	stream.indirect_vreg.scatter [tilespmem:s29], [sflag:$0x1], $0x80, v4, vm0, $0xb8;
	[tilespmem:$0xC100] =	vst v63  }
0x64: {  	_ = 	snop  }
0x65: {  	[hbm4b:s5+s2] =	stream.indirect_vreg.scatter [tilespmem:s30], [sflag:$0x1], $0x80, v4, vm0, $0xb8;
	[tilespmem:$0xC100] =	vst v63  }
0x66: {  	_ = 	snop  }
0x67: {  	[hbm4b:s3+s2] =	stream.indirect_vreg.scatter [tilespmem:s31], [sflag:$0x1], $0x80, v3, vm0, $0xb8;
	[tilespmem:$0xC100] =	vst v63  }
0x68: {  	s0 =	simm.s32 $0xB100  }
0x69: {  	[hbm4b:s4+s2] =	stream.indirect_vreg.scatter [tilespmem:s0], [sflag:$0x1], $0x80, v3, vm0, $0xb8;
	[tilespmem:$0xC100] =	vst v63  }
0x6a: {  	_ = 	snop  }
0x6b: {  	[hbm4b:s5+s2] =	stream.indirect_vreg.scatter [tilespmem:s8], [sflag:$0x1], $0x80, v3, vm0, $0xb8;
	[tilespmem:$0xC100] =	vst v63  }
0x6c: {  	v3 =	vld [tilespmem:$0x80];
	_ =	sdelay $0x4  }
0x6d: {  	v60 =	vshrl.u32 v3, $0x3  }
0x6e: {  	v4 =	vmul.u32 $0x30, v60  }
0x6f: {  	v3 =	vand.u32 $0x7, v3  }
0x70: {  	v3 =	vor.u32 v3, v4  }
0x71: {  	v4 =	vperm.xlane v3, v0;
	_ =	sdelay $0x1  }
0x72: {  	v4 =	vadd.s32 v1, v4;
	_ =	sdelay $0x3  }
0x73: {  	v3 =	vperm.xlane v3, v2  }
0x74: {  	[hbm4b:s3+s2] =	stream.indirect_vreg.scatter [tilespmem:s1], [sflag:$0x2], $0x80, v4, vm0, $0xb8;
	[tilespmem:$0xC100] =	vst v63  }
0x75: {  	v3 =	vadd.s32 v1, v3  }
0x76: {  	[hbm4b:s4+s2] =	stream.indirect_vreg.scatter [tilespmem:s10], [sflag:$0x2], $0x80, v4, vm0, $0xb8;
	[tilespmem:$0xC100] =	vst v63  }
0x77: {  	_ = 	snop  }
0x78: {  	[hbm4b:s5+s2] =	stream.indirect_vreg.scatter [tilespmem:s11], [sflag:$0x2], $0x80, v4, vm0, $0xb8;
	[tilespmem:$0xC100] =	vst v63  }
0x79: {  	_ = 	snop  }
0x7a: {  	[hbm4b:s3+s2] =	stream.indirect_vreg.scatter [tilespmem:s12], [sflag:$0x2], $0x80, v3, vm0, $0xb8;
	[tilespmem:$0xC100] =	vst v63  }
0x7b: {  	_ = 	snop  }
0x7c: {  	[hbm4b:s4+s2] =	stream.indirect_vreg.scatter [tilespmem:s13], [sflag:$0x2], $0x80, v3, vm0, $0xb8;
	[tilespmem:$0xC100] =	vst v63  }
0x7d: {  	_ = 	snop  }
0x7e: {  	[hbm4b:s5+s2] =	stream.indirect_vreg.scatter [tilespmem:s14], [sflag:$0x2], $0x80, v3, vm0, $0xb8;
	[tilespmem:$0xC100] =	vst v63  }
0x7f: {  	v3 =	vld [tilespmem:$0x90];
	_ =	sdelay $0x4  }
0x80: {  	v61 =	vshrl.u32 v3, $0x3  }
0x81: {  	v4 =	vmul.u32 $0x30, v61  }
0x82: {  	v3 =	vand.u32 $0x7, v3  }
0x83: {  	v3 =	vor.u32 v3, v4  }
0x84: {  	v4 =	vperm.xlane v3, v0;
	_ =	sdelay $0x1  }
0x85: {  	v4 =	vadd.s32 v1, v4;
	_ =	sdelay $0x3  }
0x86: {  	v3 =	vperm.xlane v3, v2  }
0x87: {  	[hbm4b:s3+s2] =	stream.indirect_vreg.scatter [tilespmem:s15], [sflag:$0x2], $0x80, v4, vm0, $0xb8;
	[tilespmem:$0xC100] =	vst v63  }
0x88: {  	v3 =	vadd.s32 v1, v3  }
0x89: {  	[hbm4b:s4+s2] =	stream.indirect_vreg.scatter [tilespmem:s16], [sflag:$0x2], $0x80, v4, vm0, $0xb8;
	[tilespmem:$0xC100] =	vst v63  }
0x8a: {  	_ = 	snop  }
0x8b: {  	[hbm4b:s5+s2] =	stream.indirect_vreg.scatter [tilespmem:s17], [sflag:$0x2], $0x80, v4, vm0, $0xb8;
	[tilespmem:$0xC100] =	vst v63  }
0x8c: {  	_ = 	snop  }
0x8d: {  	[hbm4b:s3+s2] =	stream.indirect_vreg.scatter [tilespmem:s18], [sflag:$0x2], $0x80, v3, vm0, $0xb8;
	[tilespmem:$0xC100] =	vst v63  }
0x8e: {  	_ = 	snop  }
0x8f: {  	[hbm4b:s4+s2] =	stream.indirect_vreg.scatter [tilespmem:s19], [sflag:$0x2], $0x80, v3, vm0, $0xb8;
	[tilespmem:$0xC100] =	vst v63  }
0x90: {  	_ = 	snop  }
0x91: {  	[hbm4b:s5+s2] =	stream.indirect_vreg.scatter [tilespmem:s20], [sflag:$0x2], $0x80, v3, vm0, $0xb8;
	[tilespmem:$0xC100] =	vst v63  }
0x92: {  	v3 =	vld [tilespmem:$0xA0];
	_ =	sdelay $0x4  }
0x93: {  	v62 =	vshrl.u32 v3, $0x3  }
0x94: {  	v4 =	vmul.u32 $0x30, v62  }
0x95: {  	v3 =	vand.u32 $0x7, v3  }
0x96: {  	v3 =	vor.u32 v3, v4  }
0x97: {  	v4 =	vperm.xlane v3, v0;
	_ =	sdelay $0x1  }
0x98: {  	v4 =	vadd.s32 v1, v4;
	_ =	sdelay $0x3  }
0x99: {  	v3 =	vperm.xlane v3, v2  }
0x9a: {  	[hbm4b:s3+s2] =	stream.indirect_vreg.scatter [tilespmem:s21], [sflag:$0x2], $0x80, v4, vm0, $0xb8;
	[tilespmem:$0xC100] =	vst v63  }
0x9b: {  	v3 =	vadd.s32 v1, v3  }
0x9c: {  	[hbm4b:s4+s2] =	stream.indirect_vreg.scatter [tilespmem:s22], [sflag:$0x2], $0x80, v4, vm0, $0xb8;
	[tilespmem:$0xC100] =	vst v63  }
0x9d: {  	_ = 	snop  }
0x9e: {  	[hbm4b:s5+s2] =	stream.indirect_vreg.scatter [tilespmem:s23], [sflag:$0x2], $0x80, v4, vm0, $0xb8;
	[tilespmem:$0xC100] =	vst v63  }
0x9f: {  	_ = 	snop  }
0xa0: {  	[hbm4b:s3+s2] =	stream.indirect_vreg.scatter [tilespmem:s24], [sflag:$0x2], $0x80, v3, vm0, $0xb8;
	[tilespmem:$0xC100] =	vst v63  }
0xa1: {  	_ = 	snop  }
0xa2: {  	[hbm4b:s4+s2] =	stream.indirect_vreg.scatter [tilespmem:s25], [sflag:$0x2], $0x80, v3, vm0, $0xb8;
	[tilespmem:$0xC100] =	vst v63  }
0xa3: {  	_ = 	snop  }
0xa4: {  	[hbm4b:s5+s2] =	stream.indirect_vreg.scatter [tilespmem:s26], [sflag:$0x2], $0x80, v3, vm0, $0xb8;
	[tilespmem:$0xC100] =	vst v63  }
0xa5: {  	v3 =	vld [tilespmem:$0xB0];
	_ =	sdelay $0x4  }
0xa6: {  	v63 =	vshrl.u32 v3, $0x3  }
0xa7: {  	v4 =	vmul.u32 $0x30, v63  }
0xa8: {  	v3 =	vand.u32 $0x7, v3  }
0xa9: {  	v3 =	vor.u32 v3, v4  }
0xaa: {  	v4 =	vperm.xlane v3, v0;
	_ =	sdelay $0x1  }
0xab: {  	v4 =	vadd.s32 v1, v4;
	_ =	sdelay $0x3  }
0xac: {  	v3 =	vperm.xlane v3, v2  }
0xad: {  	[hbm4b:s3+s2] =	stream.indirect_vreg.scatter [tilespmem:s28], [sflag:$0x2], $0x80, v4, vm0, $0xb8;
	[tilespmem:$0xC100] =	vst v63  }
0xae: {  	v3 =	vadd.s32 v1, v3  }
0xaf: {  	[hbm4b:s4+s2] =	stream.indirect_vreg.scatter [tilespmem:s29], [sflag:$0x2], $0x80, v4, vm0, $0xb8;
	[tilespmem:$0xC100] =	vst v63  }
0xb0: {  	_ = 	snop  }
0xb1: {  	[hbm4b:s5+s2] =	stream.indirect_vreg.scatter [tilespmem:s30], [sflag:$0x2], $0x80, v4, vm0, $0xb8;
	[tilespmem:$0xC100] =	vst v63  }
0xb2: {  	_ = 	snop  }
0xb3: {  	[hbm4b:s3+s2] =	stream.indirect_vreg.scatter [tilespmem:s31], [sflag:$0x2], $0x80, v3, vm0, $0xb8;
	[tilespmem:$0xC100] =	vst v63  }
0xb4: {  	_ = 	snop  }
0xb5: {  	[hbm4b:s4+s2] =	stream.indirect_vreg.scatter [tilespmem:s0], [sflag:$0x2], $0x80, v3, vm0, $0xb8;
	[tilespmem:$0xC100] =	vst v63  }
0xb6: {  	s11 =	simm.s32 $0x1  }
0xb7: {  	[hbm4b:s5+s2] =	stream.indirect_vreg.scatter [tilespmem:s8], [sflag:$0x2], $0x80, v3, vm0, $0xb8;
	[tilespmem:$0xC100] =	vst v63  }
0xb8: {  	p0 =	sne.s32 s6, $0x1;
	_ =	swait.ge [sflag:s11], $0xC000  }
.Ltmp0:
0xb9: {  	[sflag:s11] =	ssyncset.done $0x0;
	(pc) =	sbr.rel @p0 .LBB2_1-.Ltmp0, $4  }
0xba: {  	[sflag:s11] =	ssyncadd.s32 $0xFFFF4000  }
0xbb: {  	_ =	swait.ge [sflag:s9], $0xC000  }
0xbc: {  	[sflag:s9] =	ssyncset.done $0x0  }
0xbd: {  	s6 =	sadd.s32 $0xFFFFFFFF, s6;
	[sflag:s9] =	ssyncadd.s32 $0xFFFF4000  }
0xbe: {  	_ =	sfence.sel $0x180000  }
0xbf: {  	[bflag:$0x0] =	sbarrier.arrive $0xFFFF  }
0xc0: {  	_ =	strace $0x90000047  }
0xc1: {  	s0 =	stileid.u32;
	[bflag:$0x2] =	sbarrier.arrive $0xFFFF  }
0xc2: {  	p0 =	sne.s32 s0, $0x0;
	s0 =	rddreg [dreg:$0x2]  }
0xc3: {  	s0 =	sadd.s32 @!p0 $0x100000, s0  }
0xc4: {  	[sflag:s0] =	ssyncadd.tile.s32 @!p0 $0x1;
	_ =	shalt  }
.Lfunc_end2:
_tile_overlayer_lowered:
.L_overlay_start_2:
0xc5: {  	(tag) =	ssettag $0x2  }
0xc6: {  	s0 =	rddreg [dreg:$0x0];
	s2 =	stileid.u32  }
0xc7: {  	s1 =	rddreg [dreg:$0x1];
	p0 =	sne.s32 s2, $0x0  }
0xc8: {  	s3 =	rddreg [dreg:$0x2];
	[bflag:$0x3] =	sbarrier.arrive $0xFFFF;
	s2 =	simm.s32 @!p0 $0x1C03  }
0xc9: {  	[timem:s3], [sflag:s2] =	dma.local @!p0 [hbm:s0], s1  }
0xca: {  	s0 =	simm.s32 @!p0 $0x3  }
0xcb: {  	_ =	swait.ge @!p0 [sflag:s0], s1  }
0xcc: {  	s1 =	ssub.s32 @!p0 $0x0, s1;
	[sflag:s0] =	ssyncset.done @!p0 $0x0  }
0xcd: {  	[sflag:s0] =	ssyncadd.s32 @!p0 s1  }
0xce: {  	[bflag:$0x3] =	sbarrier.arrive $0xFFFF  }
0xcf: {  	_ =	shalt  }

</sc_bundles>
